<compile_context>
chip_gen: v7x
topology: tpu7x:2x2x1
jax: 0.10.2.dev20260603
libtpu: 0.0.44.dev20260713+nightly
codegen_flags: <defaults>
</compile_context>

<pallas_src>
import functools

import jax
import jax.numpy as jnp
from jax import lax
from jax.experimental import pallas as pl
from jax.experimental.pallas import tpu as pltpu
from jax.experimental.pallas import tpu_sc as plsc

_L = 16
_CH = 128


def _make_gather(B, V):
    info = plsc.get_sparse_core_info()
    NC, NS = info.num_cores, info.num_subcores
    NW = NC * NS
    assert B % (NW * _CH) == 0
    bpw = B // NW
    ng = bpw // _L
    nb = bpw // _CH

    mesh = plsc.VectorSubcoreMesh(core_axis_name="c", subcore_axis_name="s")

    @functools.partial(
        pl.kernel,
        mesh=mesh,
        compiler_params=pltpu.CompilerParams(
            use_tc_tiling_on_sc=False,
            needs_layout_passes=False,
            disable_bounds_checks=True,
        ),
        out_type=[
            jax.ShapeDtypeStruct((B * 4,), jnp.float32),
            jax.ShapeDtypeStruct((B * 4,), jnp.float32),
        ],
        scratch_types=[
            pltpu.VMEM((bpw,), jnp.int32),
            pltpu.VMEM((4 * bpw,), jnp.int32),
            pltpu.VMEM((3 * bpw,), jnp.int32),
            pltpu.VMEM((4 * bpw,), jnp.float32),
            pltpu.VMEM((4 * bpw,), jnp.float32),
            pltpu.SemaphoreType.DMA,
        ],
    )
    def gather_kernel(idx_hbm, rot_hbm, trans_hbm, rot_out, trans_out,
                      idx_v, roff_v, toff_v, rimg_v, timg_v, sem):
        wid = lax.axis_index("s") * NC + lax.axis_index("c")
        base = wid * bpw
        pltpu.sync_copy(idx_hbm.at[pl.ds(base, bpw)], idx_v)

        def build(t, carry):
            b0 = t * _L
            i16 = idx_v[pl.ds(b0, _L)]
            for k in range(4):
                roff_v[pl.ds(k * bpw + b0, _L)] = i16 + k * V
            for k in range(3):
                toff_v[pl.ds(k * bpw + b0, _L)] = i16 + k * V
            return carry

        lax.fori_loop(0, ng, build, 0)

        copies = []
        for cb in range(nb):
            for k in range(4):
                copies.append(pltpu.async_copy(
                    rot_hbm.at[roff_v.at[pl.ds(k * bpw + cb * _CH, _CH)]],
                    rimg_v.at[pl.ds(cb * 512 + k * _CH, _CH)], sem))
            for k in range(3):
                copies.append(pltpu.async_copy(
                    trans_hbm.at[toff_v.at[pl.ds(k * bpw + cb * _CH, _CH)]],
                    timg_v.at[pl.ds(cb * 512 + k * _CH, _CH)], sem))
        for cp in copies:
            cp.wait()

        pltpu.sync_copy(rimg_v, rot_out.at[pl.ds(base * 4, 4 * bpw)])
        pltpu.sync_copy(timg_v, trans_out.at[pl.ds(base * 4, 4 * bpw)])

    return gather_kernel


def kernel(camera_idx, rotations, translations):
    B = camera_idx.shape[0]
    V = rotations.shape[0]
    gather_kernel = _make_gather(B, V)
    rot_pl = jnp.swapaxes(rotations, 0, 1).reshape(-1)
    trans_pl = jnp.swapaxes(translations, 0, 1).reshape(-1)
    rot_f, trans_f = gather_kernel(
        camera_idx.astype(jnp.int32), rot_pl, trans_pl)
    rot = rot_f.reshape(B // _CH, 4, _CH).transpose(0, 2, 1).reshape(B, 4)
    trans = trans_f.reshape(B // _CH, 4, _CH).transpose(0, 2, 1).reshape(B, 4)
    return rot, trans[:, :3]

# --- scband reference (transcript-rebuilt; emitter-appended) ---
"""Pipeline reference for scband-extrinsic-model2-76407468196308 (READ-ONLY COPY).

The authoritative reference and input builder live on the scoring server;
editing this copy changes nothing except your own understanding.
"""

import jax, jax.numpy as jnp
import numpy as np

NUM_CAMERA = 100000
BATCH = 16384


def setup_inputs(seed: int = 0) -> dict:
    key = jax.random.key(seed)
    camera_idx = jax.random.randint(key, (BATCH,), 0, NUM_CAMERA, dtype=jnp.int64 if jax.config.jax_enable_x64 else jnp.int32)
    # learned parameters, initialized exactly as the torch module does
    quat = jnp.array([1.0, 0.0, 0.0, 0.0], dtype=jnp.float32)
    rotations = jnp.tile(quat[None, :], (NUM_CAMERA, 1))  # [num_camera, 4]
    translations = jnp.zeros((NUM_CAMERA, 3), dtype=jnp.float32)  # [num_camera, 3]
    return {"camera_idx": camera_idx, "rotations": rotations, "translations": translations}


def reference(camera_idx, rotations, translations):
    # faithful translation of ExtrinsicModel2.forward: two embedding-style row gathers
    trans_delta = jnp.take(translations, camera_idx, axis=0)  # [B, 3]
    rot_delta = jnp.take(rotations, camera_idx, axis=0)       # [B, 4]
    return (rot_delta, trans_delta)

if __name__ == "__main__":
    import jax
    _d = setup_inputs()
    print(jax.jit(kernel)(*tuple(_d.values())))

</pallas_src>

<mosaic_0001>
#map = affine_map<(d0, d1) -> (0)>
module attributes {stable_mosaic.version = 14 : i64} {
  func.func @gather_kernel(%arg0: i32, %arg1: i32, %arg2: memref<16384xi32, #tpu.memory_space<hbm>>, %arg3: memref<400000xf32, #tpu.memory_space<hbm>>, %arg4: memref<300000xf32, #tpu.memory_space<hbm>>, %arg5: memref<65536xf32, #tpu.memory_space<hbm>>, %arg6: memref<65536xf32, #tpu.memory_space<hbm>>, %arg7: memref<512xi32, #tpu.memory_space<vmem>>, %arg8: memref<2048xi32, #tpu.memory_space<vmem>>, %arg9: memref<1536xi32, #tpu.memory_space<vmem>>, %arg10: memref<2048xf32, #tpu.memory_space<vmem>>, %arg11: memref<2048xf32, #tpu.memory_space<vmem>>, %arg12: memref<!tpu.dma_semaphore, #tpu.memory_space<semaphore_mem>>) attributes {dimension_semantics = [#tpu.dimension_semantics<core_parallel>, #tpu.dimension_semantics<subcore_parallel>], iteration_bounds = array<i64: 2, 16>, scalar_prefetch = 0 : i64, scratch_operands = 6 : i64, tpu.core_type = #tpu.core_type<sc_vector_subcore>, window_params = [{transform_indices = #map}, {transform_indices = #map}, {transform_indices = #map}, {transform_indices = #map}, {transform_indices = #map}]} {
    %mul3A = arith.constant 2 : i32
    %mul3A_0 = arith.muli %arg1, %mul3A : i32
    %add3A = arith.addi %mul3A_0, %arg0 : i32
    %mul3A_1 = arith.constant 512 : i32
    %mul3A_2 = arith.muli %add3A, %mul3A_1 : i32
    "tpu.region"() ({
      %run_scoped3A = tpu.sem_alloc : memref<!tpu.dma_semaphore, #tpu.memory_space<semaphore_mem>>
      %dma_start3A_346 = tpu.memref_slice %arg2[%mul3A_2] : memref<16384xi32, #tpu.memory_space<hbm>> -> memref<512xi32, #tpu.memory_space<hbm>>
      %dma_start3A_347 = tpu.memref_slice %arg2[%mul3A_2] : memref<16384xi32, #tpu.memory_space<hbm>> -> memref<512xi32, #tpu.memory_space<hbm>>
      tpu.enqueue_dma source(%dma_start3A_347 : memref<512xi32, #tpu.memory_space<hbm>>) target(%arg7 : memref<512xi32, #tpu.memory_space<vmem>>) target_semaphore(%run_scoped3A : memref<!tpu.dma_semaphore, #tpu.memory_space<semaphore_mem>>)
      %dma_wait3A_348 = tpu.memref_slice %arg2[%mul3A_2] : memref<16384xi32, #tpu.memory_space<hbm>> -> memref<512xi32, #tpu.memory_space<hbm>>
      %dma_wait3A_349 = tpu.memref_slice %arg2[%mul3A_2] : memref<16384xi32, #tpu.memory_space<hbm>> -> memref<512xi32, #tpu.memory_space<hbm>>
      tpu.wait_dma2 semaphore(%run_scoped3A : memref<!tpu.dma_semaphore, #tpu.memory_space<semaphore_mem>>) src(%dma_wait3A_349 : memref<512xi32, #tpu.memory_space<hbm>>) dst(%arg7 : memref<512xi32, #tpu.memory_space<vmem>>)
      tpu.yield
    }) : () -> ()
    %scan3A = arith.constant 0 : i32
    %scan3A_3 = arith.constant 0 : i32
    %scan3A_4 = arith.constant 32 : i32
    %scan3A_5 = arith.addi %scan3A_3, %scan3A_4 : i32
    %scan3A_6 = arith.constant 1 : i32
    scf.for %scan3A_346 = %scan3A_3 to %scan3A_5 step %scan3A_6  : i32 {
      %mul3A_347 = arith.constant 16 : i32
      %mul3A_348 = arith.muli %scan3A_346, %mul3A_347 : i32
      %get3A = arith.index_cast %mul3A_348 : i32 to index
      %get3A_349 = tpu.vector_load %arg7[%get3A] {strides = array<i32>} : memref<512xi32, #tpu.memory_space<vmem>>, vector<16xi32>,
      %add3A_350 = arith.constant 0 : i32
      %add3A_351 = vector.broadcast %add3A_350 : i32 to vector<16xi32>
      %add3A_352 = arith.addi %get3A_349, %add3A_351 : vector<16xi32>
      %add3A_353 = arith.constant 0 : i32
      %add3A_354 = arith.addi %add3A_353, %mul3A_348 : i32
      %swap3A = arith.index_cast %add3A_354 : i32 to index
      %swap3A_355 = tpu.vector_load %arg8[%swap3A] {strides = array<i32>} : memref<2048xi32, #tpu.memory_space<vmem>>, vector<16xi32>,
      tpu.vector_store %arg8[%swap3A], %add3A_352 {strides = array<i32>} : memref<2048xi32, #tpu.memory_space<vmem>>, vector<16xi32>,
      %add3A_356 = arith.constant 100000 : i32
      %add3A_357 = vector.broadcast %add3A_356 : i32 to vector<16xi32>
      %add3A_358 = arith.addi %get3A_349, %add3A_357 : vector<16xi32>
      %add3A_359 = arith.constant 512 : i32
      %add3A_360 = arith.addi %add3A_359, %mul3A_348 : i32
      %swap3A_361 = arith.index_cast %add3A_360 : i32 to index
      %swap3A_362 = tpu.vector_load %arg8[%swap3A_361] {strides = array<i32>} : memref<2048xi32, #tpu.memory_space<vmem>>, vector<16xi32>,
      tpu.vector_store %arg8[%swap3A_361], %add3A_358 {strides = array<i32>} : memref<2048xi32, #tpu.memory_space<vmem>>, vector<16xi32>,
      %add3A_363 = arith.constant 200000 : i32
      %add3A_364 = vector.broadcast %add3A_363 : i32 to vector<16xi32>
      %add3A_365 = arith.addi %get3A_349, %add3A_364 : vector<16xi32>
      %add3A_366 = arith.constant 1024 : i32
      %add3A_367 = arith.addi %add3A_366, %mul3A_348 : i32
      %swap3A_368 = arith.index_cast %add3A_367 : i32 to index
      %swap3A_369 = tpu.vector_load %arg8[%swap3A_368] {strides = array<i32>} : memref<2048xi32, #tpu.memory_space<vmem>>, vector<16xi32>,
      tpu.vector_store %arg8[%swap3A_368], %add3A_365 {strides = array<i32>} : memref<2048xi32, #tpu.memory_space<vmem>>, vector<16xi32>,
      %add3A_370 = arith.constant 300000 : i32
      %add3A_371 = vector.broadcast %add3A_370 : i32 to vector<16xi32>
      %add3A_372 = arith.addi %get3A_349, %add3A_371 : vector<16xi32>
      %add3A_373 = arith.constant 1536 : i32
      %add3A_374 = arith.addi %add3A_373, %mul3A_348 : i32
      %swap3A_375 = arith.index_cast %add3A_374 : i32 to index
      %swap3A_376 = tpu.vector_load %arg8[%swap3A_375] {strides = array<i32>} : memref<2048xi32, #tpu.memory_space<vmem>>, vector<16xi32>,
      tpu.vector_store %arg8[%swap3A_375], %add3A_372 {strides = array<i32>} : memref<2048xi32, #tpu.memory_space<vmem>>, vector<16xi32>,
      %add3A_377 = arith.constant 0 : i32
      %add3A_378 = vector.broadcast %add3A_377 : i32 to vector<16xi32>
      %add3A_379 = arith.addi %get3A_349, %add3A_378 : vector<16xi32>
      %add3A_380 = arith.constant 0 : i32
      %add3A_381 = arith.addi %add3A_380, %mul3A_348 : i32
      %swap3A_382 = arith.index_cast %add3A_381 : i32 to index
      %swap3A_383 = tpu.vector_load %arg9[%swap3A_382] {strides = array<i32>} : memref<1536xi32, #tpu.memory_space<vmem>>, vector<16xi32>,
      tpu.vector_store %arg9[%swap3A_382], %add3A_379 {strides = array<i32>} : memref<1536xi32, #tpu.memory_space<vmem>>, vector<16xi32>,
      %add3A_384 = arith.constant 100000 : i32
      %add3A_385 = vector.broadcast %add3A_384 : i32 to vector<16xi32>
      %add3A_386 = arith.addi %get3A_349, %add3A_385 : vector<16xi32>
      %add3A_387 = arith.constant 512 : i32
      %add3A_388 = arith.addi %add3A_387, %mul3A_348 : i32
      %swap3A_389 = arith.index_cast %add3A_388 : i32 to index
      %swap3A_390 = tpu.vector_load %arg9[%swap3A_389] {strides = array<i32>} : memref<1536xi32, #tpu.memory_space<vmem>>, vector<16xi32>,
      tpu.vector_store %arg9[%swap3A_389], %add3A_386 {strides = array<i32>} : memref<1536xi32, #tpu.memory_space<vmem>>, vector<16xi32>,
      %add3A_391 = arith.constant 200000 : i32
      %add3A_392 = vector.broadcast %add3A_391 : i32 to vector<16xi32>
      %add3A_393 = arith.addi %get3A_349, %add3A_392 : vector<16xi32>
      %add3A_394 = arith.constant 1024 : i32
      %add3A_395 = arith.addi %add3A_394, %mul3A_348 : i32
      %swap3A_396 = arith.index_cast %add3A_395 : i32 to index
      %swap3A_397 = tpu.vector_load %arg9[%swap3A_396] {strides = array<i32>} : memref<1536xi32, #tpu.memory_space<vmem>>, vector<16xi32>,
      tpu.vector_store %arg9[%swap3A_396], %add3A_393 {strides = array<i32>} : memref<1536xi32, #tpu.memory_space<vmem>>, vector<16xi32>,
    }
    %scan3A_7 = arith.constant 32 : i32
    %dma_start3A = arith.constant 0 : i32
    %dma_start3A_8 = tpu.memref_slice %arg10[%dma_start3A] : memref<2048xf32, #tpu.memory_space<vmem>> -> memref<128xf32, #tpu.memory_space<vmem>>
    %dma_start3A_9 = arith.constant 0 : i32
    %dma_start3A_10 = tpu.memref_slice %arg8[%dma_start3A_9] : memref<2048xi32, #tpu.memory_space<vmem>> -> memref<128xi32, #tpu.memory_space<vmem>>
    %dma_start3A_11 = arith.constant 0 : i32
    %dma_start3A_12 = tpu.memref_slice %arg3[%dma_start3A_11] : memref<400000xf32, #tpu.memory_space<hbm>> -> memref<400000xf32, #tpu.memory_space<hbm>>
    tpu.enqueue_indirect_dma source(%dma_start3A_12 : memref<400000xf32, #tpu.memory_space<hbm>>) target(%dma_start3A_8 : memref<128xf32, #tpu.memory_space<vmem>>) offsets(%dma_start3A_10 : memref<128xi32, #tpu.memory_space<vmem>>) semaphore(%arg12 : memref<!tpu.dma_semaphore, #tpu.memory_space<semaphore_mem>>)
    %dma_start3A_13 = arith.constant 128 : i32
    %dma_start3A_14 = tpu.memref_slice %arg10[%dma_start3A_13] : memref<2048xf32, #tpu.memory_space<vmem>> -> memref<128xf32, #tpu.memory_space<vmem>>
    %dma_start3A_15 = arith.constant 512 : i32
    %dma_start3A_16 = tpu.memref_slice %arg8[%dma_start3A_15] : memref<2048xi32, #tpu.memory_space<vmem>> -> memref<128xi32, #tpu.memory_space<vmem>>
    %dma_start3A_17 = arith.constant 0 : i32
    %dma_start3A_18 = tpu.memref_slice %arg3[%dma_start3A_17] : memref<400000xf32, #tpu.memory_space<hbm>> -> memref<400000xf32, #tpu.memory_space<hbm>>
    tpu.enqueue_indirect_dma source(%dma_start3A_18 : memref<400000xf32, #tpu.memory_space<hbm>>) target(%dma_start3A_14 : memref<128xf32, #tpu.memory_space<vmem>>) offsets(%dma_start3A_16 : memref<128xi32, #tpu.memory_space<vmem>>) semaphore(%arg12 : memref<!tpu.dma_semaphore, #tpu.memory_space<semaphore_mem>>)
    %dma_start3A_19 = arith.constant 256 : i32
    %dma_start3A_20 = tpu.memref_slice %arg10[%dma_start3A_19] : memref<2048xf32, #tpu.memory_space<vmem>> -> memref<128xf32, #tpu.memory_space<vmem>>
    %dma_start3A_21 = arith.constant 1024 : i32
    %dma_start3A_22 = tpu.memref_slice %arg8[%dma_start3A_21] : memref<2048xi32, #tpu.memory_space<vmem>> -> memref<128xi32, #tpu.memory_space<vmem>>
    %dma_start3A_23 = arith.constant 0 : i32
    %dma_start3A_24 = tpu.memref_slice %arg3[%dma_start3A_23] : memref<400000xf32, #tpu.memory_space<hbm>> -> memref<400000xf32, #tpu.memory_space<hbm>>
    tpu.enqueue_indirect_dma source(%dma_start3A_24 : memref<400000xf32, #tpu.memory_space<hbm>>) target(%dma_start3A_20 : memref<128xf32, #tpu.memory_space<vmem>>) offsets(%dma_start3A_22 : memref<128xi32, #tpu.memory_space<vmem>>) semaphore(%arg12 : memref<!tpu.dma_semaphore, #tpu.memory_space<semaphore_mem>>)
    %dma_start3A_25 = arith.constant 384 : i32
    %dma_start3A_26 = tpu.memref_slice %arg10[%dma_start3A_25] : memref<2048xf32, #tpu.memory_space<vmem>> -> memref<128xf32, #tpu.memory_space<vmem>>
    %dma_start3A_27 = arith.constant 1536 : i32
    %dma_start3A_28 = tpu.memref_slice %arg8[%dma_start3A_27] : memref<2048xi32, #tpu.memory_space<vmem>> -> memref<128xi32, #tpu.memory_space<vmem>>
    %dma_start3A_29 = arith.constant 0 : i32
    %dma_start3A_30 = tpu.memref_slice %arg3[%dma_start3A_29] : memref<400000xf32, #tpu.memory_space<hbm>> -> memref<400000xf32, #tpu.memory_space<hbm>>
    tpu.enqueue_indirect_dma source(%dma_start3A_30 : memref<400000xf32, #tpu.memory_space<hbm>>) target(%dma_start3A_26 : memref<128xf32, #tpu.memory_space<vmem>>) offsets(%dma_start3A_28 : memref<128xi32, #tpu.memory_space<vmem>>) semaphore(%arg12 : memref<!tpu.dma_semaphore, #tpu.memory_space<semaphore_mem>>)
    %dma_start3A_31 = arith.constant 0 : i32
    %dma_start3A_32 = tpu.memref_slice %arg11[%dma_start3A_31] : memref<2048xf32, #tpu.memory_space<vmem>> -> memref<128xf32, #tpu.memory_space<vmem>>
    %dma_start3A_33 = arith.constant 0 : i32
    %dma_start3A_34 = tpu.memref_slice %arg9[%dma_start3A_33] : memref<1536xi32, #tpu.memory_space<vmem>> -> memref<128xi32, #tpu.memory_space<vmem>>
    %dma_start3A_35 = arith.constant 0 : i32
    %dma_start3A_36 = tpu.memref_slice %arg4[%dma_start3A_35] : memref<300000xf32, #tpu.memory_space<hbm>> -> memref<300000xf32, #tpu.memory_space<hbm>>
    tpu.enqueue_indirect_dma source(%dma_start3A_36 : memref<300000xf32, #tpu.memory_space<hbm>>) target(%dma_start3A_32 : memref<128xf32, #tpu.memory_space<vmem>>) offsets(%dma_start3A_34 : memref<128xi32, #tpu.memory_space<vmem>>) semaphore(%arg12 : memref<!tpu.dma_semaphore, #tpu.memory_space<semaphore_mem>>)
    %dma_start3A_37 = arith.constant 128 : i32
    %dma_start3A_38 = tpu.memref_slice %arg11[%dma_start3A_37] : memref<2048xf32, #tpu.memory_space<vmem>> -> memref<128xf32, #tpu.memory_space<vmem>>
    %dma_start3A_39 = arith.constant 512 : i32
    %dma_start3A_40 = tpu.memref_slice %arg9[%dma_start3A_39] : memref<1536xi32, #tpu.memory_space<vmem>> -> memref<128xi32, #tpu.memory_space<vmem>>
    %dma_start3A_41 = arith.constant 0 : i32
    %dma_start3A_42 = tpu.memref_slice %arg4[%dma_start3A_41] : memref<300000xf32, #tpu.memory_space<hbm>> -> memref<300000xf32, #tpu.memory_space<hbm>>
    tpu.enqueue_indirect_dma source(%dma_start3A_42 : memref<300000xf32, #tpu.memory_space<hbm>>) target(%dma_start3A_38 : memref<128xf32, #tpu.memory_space<vmem>>) offsets(%dma_start3A_40 : memref<128xi32, #tpu.memory_space<vmem>>) semaphore(%arg12 : memref<!tpu.dma_semaphore, #tpu.memory_space<semaphore_mem>>)
    %dma_start3A_43 = arith.constant 256 : i32
    %dma_start3A_44 = tpu.memref_slice %arg11[%dma_start3A_43] : memref<2048xf32, #tpu.memory_space<vmem>> -> memref<128xf32, #tpu.memory_space<vmem>>
    %dma_start3A_45 = arith.constant 1024 : i32
    %dma_start3A_46 = tpu.memref_slice %arg9[%dma_start3A_45] : memref<1536xi32, #tpu.memory_space<vmem>> -> memref<128xi32, #tpu.memory_space<vmem>>
    %dma_start3A_47 = arith.constant 0 : i32
    %dma_start3A_48 = tpu.memref_slice %arg4[%dma_start3A_47] : memref<300000xf32, #tpu.memory_space<hbm>> -> memref<300000xf32, #tpu.memory_space<hbm>>
    tpu.enqueue_indirect_dma source(%dma_start3A_48 : memref<300000xf32, #tpu.memory_space<hbm>>) target(%dma_start3A_44 : memref<128xf32, #tpu.memory_space<vmem>>) offsets(%dma_start3A_46 : memref<128xi32, #tpu.memory_space<vmem>>) semaphore(%arg12 : memref<!tpu.dma_semaphore, #tpu.memory_space<semaphore_mem>>)
    %dma_start3A_49 = arith.constant 512 : i32
    %dma_start3A_50 = tpu.memref_slice %arg10[%dma_start3A_49] : memref<2048xf32, #tpu.memory_space<vmem>> -> memref<128xf32, #tpu.memory_space<vmem>>
    %dma_start3A_51 = arith.constant 128 : i32
    %dma_start3A_52 = tpu.memref_slice %arg8[%dma_start3A_51] : memref<2048xi32, #tpu.memory_space<vmem>> -> memref<128xi32, #tpu.memory_space<vmem>>
    %dma_start3A_53 = arith.constant 0 : i32
    %dma_start3A_54 = tpu.memref_slice %arg3[%dma_start3A_53] : memref<400000xf32, #tpu.memory_space<hbm>> -> memref<400000xf32, #tpu.memory_space<hbm>>
    tpu.enqueue_indirect_dma source(%dma_start3A_54 : memref<400000xf32, #tpu.memory_space<hbm>>) target(%dma_start3A_50 : memref<128xf32, #tpu.memory_space<vmem>>) offsets(%dma_start3A_52 : memref<128xi32, #tpu.memory_space<vmem>>) semaphore(%arg12 : memref<!tpu.dma_semaphore, #tpu.memory_space<semaphore_mem>>)
    %dma_start3A_55 = arith.constant 640 : i32
    %dma_start3A_56 = tpu.memref_slice %arg10[%dma_start3A_55] : memref<2048xf32, #tpu.memory_space<vmem>> -> memref<128xf32, #tpu.memory_space<vmem>>
    %dma_start3A_57 = arith.constant 640 : i32
    %dma_start3A_58 = tpu.memref_slice %arg8[%dma_start3A_57] : memref<2048xi32, #tpu.memory_space<vmem>> -> memref<128xi32, #tpu.memory_space<vmem>>
    %dma_start3A_59 = arith.constant 0 : i32
    %dma_start3A_60 = tpu.memref_slice %arg3[%dma_start3A_59] : memref<400000xf32, #tpu.memory_space<hbm>> -> memref<400000xf32, #tpu.memory_space<hbm>>
    tpu.enqueue_indirect_dma source(%dma_start3A_60 : memref<400000xf32, #tpu.memory_space<hbm>>) target(%dma_start3A_56 : memref<128xf32, #tpu.memory_space<vmem>>) offsets(%dma_start3A_58 : memref<128xi32, #tpu.memory_space<vmem>>) semaphore(%arg12 : memref<!tpu.dma_semaphore, #tpu.memory_space<semaphore_mem>>)
    %dma_start3A_61 = arith.constant 768 : i32
    %dma_start3A_62 = tpu.memref_slice %arg10[%dma_start3A_61] : memref<2048xf32, #tpu.memory_space<vmem>> -> memref<128xf32, #tpu.memory_space<vmem>>
    %dma_start3A_63 = arith.constant 1152 : i32
    %dma_start3A_64 = tpu.memref_slice %arg8[%dma_start3A_63] : memref<2048xi32, #tpu.memory_space<vmem>> -> memref<128xi32, #tpu.memory_space<vmem>>
    %dma_start3A_65 = arith.constant 0 : i32
    %dma_start3A_66 = tpu.memref_slice %arg3[%dma_start3A_65] : memref<400000xf32, #tpu.memory_space<hbm>> -> memref<400000xf32, #tpu.memory_space<hbm>>
    tpu.enqueue_indirect_dma source(%dma_start3A_66 : memref<400000xf32, #tpu.memory_space<hbm>>) target(%dma_start3A_62 : memref<128xf32, #tpu.memory_space<vmem>>) offsets(%dma_start3A_64 : memref<128xi32, #tpu.memory_space<vmem>>) semaphore(%arg12 : memref<!tpu.dma_semaphore, #tpu.memory_space<semaphore_mem>>)
    %dma_start3A_67 = arith.constant 896 : i32
    %dma_start3A_68 = tpu.memref_slice %arg10[%dma_start3A_67] : memref<2048xf32, #tpu.memory_space<vmem>> -> memref<128xf32, #tpu.memory_space<vmem>>
    %dma_start3A_69 = arith.constant 1664 : i32
    %dma_start3A_70 = tpu.memref_slice %arg8[%dma_start3A_69] : memref<2048xi32, #tpu.memory_space<vmem>> -> memref<128xi32, #tpu.memory_space<vmem>>
    %dma_start3A_71 = arith.constant 0 : i32
    %dma_start3A_72 = tpu.memref_slice %arg3[%dma_start3A_71] : memref<400000xf32, #tpu.memory_space<hbm>> -> memref<400000xf32, #tpu.memory_space<hbm>>
    tpu.enqueue_indirect_dma source(%dma_start3A_72 : memref<400000xf32, #tpu.memory_space<hbm>>) target(%dma_start3A_68 : memref<128xf32, #tpu.memory_space<vmem>>) offsets(%dma_start3A_70 : memref<128xi32, #tpu.memory_space<vmem>>) semaphore(%arg12 : memref<!tpu.dma_semaphore, #tpu.memory_space<semaphore_mem>>)
    %dma_start3A_73 = arith.constant 512 : i32
    %dma_start3A_74 = tpu.memref_slice %arg11[%dma_start3A_73] : memref<2048xf32, #tpu.memory_space<vmem>> -> memref<128xf32, #tpu.memory_space<vmem>>
    %dma_start3A_75 = arith.constant 128 : i32
    %dma_start3A_76 = tpu.memref_slice %arg9[%dma_start3A_75] : memref<1536xi32, #tpu.memory_space<vmem>> -> memref<128xi32, #tpu.memory_space<vmem>>
    %dma_start3A_77 = arith.constant 0 : i32
    %dma_start3A_78 = tpu.memref_slice %arg4[%dma_start3A_77] : memref<300000xf32, #tpu.memory_space<hbm>> -> memref<300000xf32, #tpu.memory_space<hbm>>
    tpu.enqueue_indirect_dma source(%dma_start3A_78 : memref<300000xf32, #tpu.memory_space<hbm>>) target(%dma_start3A_74 : memref<128xf32, #tpu.memory_space<vmem>>) offsets(%dma_start3A_76 : memref<128xi32, #tpu.memory_space<vmem>>) semaphore(%arg12 : memref<!tpu.dma_semaphore, #tpu.memory_space<semaphore_mem>>)
    %dma_start3A_79 = arith.constant 640 : i32
    %dma_start3A_80 = tpu.memref_slice %arg11[%dma_start3A_79] : memref<2048xf32, #tpu.memory_space<vmem>> -> memref<128xf32, #tpu.memory_space<vmem>>
    %dma_start3A_81 = arith.constant 640 : i32
    %dma_start3A_82 = tpu.memref_slice %arg9[%dma_start3A_81] : memref<1536xi32, #tpu.memory_space<vmem>> -> memref<128xi32, #tpu.memory_space<vmem>>
    %dma_start3A_83 = arith.constant 0 : i32
    %dma_start3A_84 = tpu.memref_slice %arg4[%dma_start3A_83] : memref<300000xf32, #tpu.memory_space<hbm>> -> memref<300000xf32, #tpu.memory_space<hbm>>
    tpu.enqueue_indirect_dma source(%dma_start3A_84 : memref<300000xf32, #tpu.memory_space<hbm>>) target(%dma_start3A_80 : memref<128xf32, #tpu.memory_space<vmem>>) offsets(%dma_start3A_82 : memref<128xi32, #tpu.memory_space<vmem>>) semaphore(%arg12 : memref<!tpu.dma_semaphore, #tpu.memory_space<semaphore_mem>>)
    %dma_start3A_85 = arith.constant 768 : i32
    %dma_start3A_86 = tpu.memref_slice %arg11[%dma_start3A_85] : memref<2048xf32, #tpu.memory_space<vmem>> -> memref<128xf32, #tpu.memory_space<vmem>>
    %dma_start3A_87 = arith.constant 1152 : i32
    %dma_start3A_88 = tpu.memref_slice %arg9[%dma_start3A_87] : memref<1536xi32, #tpu.memory_space<vmem>> -> memref<128xi32, #tpu.memory_space<vmem>>
    %dma_start3A_89 = arith.constant 0 : i32
    %dma_start3A_90 = tpu.memref_slice %arg4[%dma_start3A_89] : memref<300000xf32, #tpu.memory_space<hbm>> -> memref<300000xf32, #tpu.memory_space<hbm>>
    tpu.enqueue_indirect_dma source(%dma_start3A_90 : memref<300000xf32, #tpu.memory_space<hbm>>) target(%dma_start3A_86 : memref<128xf32, #tpu.memory_space<vmem>>) offsets(%dma_start3A_88 : memref<128xi32, #tpu.memory_space<vmem>>) semaphore(%arg12 : memref<!tpu.dma_semaphore, #tpu.memory_space<semaphore_mem>>)
    %dma_start3A_91 = arith.constant 1024 : i32
    %dma_start3A_92 = tpu.memref_slice %arg10[%dma_start3A_91] : memref<2048xf32, #tpu.memory_space<vmem>> -> memref<128xf32, #tpu.memory_space<vmem>>
    %dma_start3A_93 = arith.constant 256 : i32
    %dma_start3A_94 = tpu.memref_slice %arg8[%dma_start3A_93] : memref<2048xi32, #tpu.memory_space<vmem>> -> memref<128xi32, #tpu.memory_space<vmem>>
    %dma_start3A_95 = arith.constant 0 : i32
    %dma_start3A_96 = tpu.memref_slice %arg3[%dma_start3A_95] : memref<400000xf32, #tpu.memory_space<hbm>> -> memref<400000xf32, #tpu.memory_space<hbm>>
    tpu.enqueue_indirect_dma source(%dma_start3A_96 : memref<400000xf32, #tpu.memory_space<hbm>>) target(%dma_start3A_92 : memref<128xf32, #tpu.memory_space<vmem>>) offsets(%dma_start3A_94 : memref<128xi32, #tpu.memory_space<vmem>>) semaphore(%arg12 : memref<!tpu.dma_semaphore, #tpu.memory_space<semaphore_mem>>)
    %dma_start3A_97 = arith.constant 1152 : i32
    %dma_start3A_98 = tpu.memref_slice %arg10[%dma_start3A_97] : memref<2048xf32, #tpu.memory_space<vmem>> -> memref<128xf32, #tpu.memory_space<vmem>>
    %dma_start3A_99 = arith.constant 768 : i32
    %dma_start3A_100 = tpu.memref_slice %arg8[%dma_start3A_99] : memref<2048xi32, #tpu.memory_space<vmem>> -> memref<128xi32, #tpu.memory_space<vmem>>
    %dma_start3A_101 = arith.constant 0 : i32
    %dma_start3A_102 = tpu.memref_slice %arg3[%dma_start3A_101] : memref<400000xf32, #tpu.memory_space<hbm>> -> memref<400000xf32, #tpu.memory_space<hbm>>
    tpu.enqueue_indirect_dma source(%dma_start3A_102 : memref<400000xf32, #tpu.memory_space<hbm>>) target(%dma_start3A_98 : memref<128xf32, #tpu.memory_space<vmem>>) offsets(%dma_start3A_100 : memref<128xi32, #tpu.memory_space<vmem>>) semaphore(%arg12 : memref<!tpu.dma_semaphore, #tpu.memory_space<semaphore_mem>>)
    %dma_start3A_103 = arith.constant 1280 : i32
    %dma_start3A_104 = tpu.memref_slice %arg10[%dma_start3A_103] : memref<2048xf32, #tpu.memory_space<vmem>> -> memref<128xf32, #tpu.memory_space<vmem>>
    %dma_start3A_105 = arith.constant 1280 : i32
    %dma_start3A_106 = tpu.memref_slice %arg8[%dma_start3A_105] : memref<2048xi32, #tpu.memory_space<vmem>> -> memref<128xi32, #tpu.memory_space<vmem>>
    %dma_start3A_107 = arith.constant 0 : i32
    %dma_start3A_108 = tpu.memref_slice %arg3[%dma_start3A_107] : memref<400000xf32, #tpu.memory_space<hbm>> -> memref<400000xf32, #tpu.memory_space<hbm>>
    tpu.enqueue_indirect_dma source(%dma_start3A_108 : memref<400000xf32, #tpu.memory_space<hbm>>) target(%dma_start3A_104 : memref<128xf32, #tpu.memory_space<vmem>>) offsets(%dma_start3A_106 : memref<128xi32, #tpu.memory_space<vmem>>) semaphore(%arg12 : memref<!tpu.dma_semaphore, #tpu.memory_space<semaphore_mem>>)
    %dma_start3A_109 = arith.constant 1408 : i32
    %dma_start3A_110 = tpu.memref_slice %arg10[%dma_start3A_109] : memref<2048xf32, #tpu.memory_space<vmem>> -> memref<128xf32, #tpu.memory_space<vmem>>
    %dma_start3A_111 = arith.constant 1792 : i32
    %dma_start3A_112 = tpu.memref_slice %arg8[%dma_start3A_111] : memref<2048xi32, #tpu.memory_space<vmem>> -> memref<128xi32, #tpu.memory_space<vmem>>
    %dma_start3A_113 = arith.constant 0 : i32
    %dma_start3A_114 = tpu.memref_slice %arg3[%dma_start3A_113] : memref<400000xf32, #tpu.memory_space<hbm>> -> memref<400000xf32, #tpu.memory_space<hbm>>
    tpu.enqueue_indirect_dma source(%dma_start3A_114 : memref<400000xf32, #tpu.memory_space<hbm>>) target(%dma_start3A_110 : memref<128xf32, #tpu.memory_space<vmem>>) offsets(%dma_start3A_112 : memref<128xi32, #tpu.memory_space<vmem>>) semaphore(%arg12 : memref<!tpu.dma_semaphore, #tpu.memory_space<semaphore_mem>>)
    %dma_start3A_115 = arith.constant 1024 : i32
    %dma_start3A_116 = tpu.memref_slice %arg11[%dma_start3A_115] : memref<2048xf32, #tpu.memory_space<vmem>> -> memref<128xf32, #tpu.memory_space<vmem>>
    %dma_start3A_117 = arith.constant 256 : i32
    %dma_start3A_118 = tpu.memref_slice %arg9[%dma_start3A_117] : memref<1536xi32, #tpu.memory_space<vmem>> -> memref<128xi32, #tpu.memory_space<vmem>>
    %dma_start3A_119 = arith.constant 0 : i32
    %dma_start3A_120 = tpu.memref_slice %arg4[%dma_start3A_119] : memref<300000xf32, #tpu.memory_space<hbm>> -> memref<300000xf32, #tpu.memory_space<hbm>>
    tpu.enqueue_indirect_dma source(%dma_start3A_120 : memref<300000xf32, #tpu.memory_space<hbm>>) target(%dma_start3A_116 : memref<128xf32, #tpu.memory_space<vmem>>) offsets(%dma_start3A_118 : memref<128xi32, #tpu.memory_space<vmem>>) semaphore(%arg12 : memref<!tpu.dma_semaphore, #tpu.memory_space<semaphore_mem>>)
    %dma_start3A_121 = arith.constant 1152 : i32
    %dma_start3A_122 = tpu.memref_slice %arg11[%dma_start3A_121] : memref<2048xf32, #tpu.memory_space<vmem>> -> memref<128xf32, #tpu.memory_space<vmem>>
    %dma_start3A_123 = arith.constant 768 : i32
    %dma_start3A_124 = tpu.memref_slice %arg9[%dma_start3A_123] : memref<1536xi32, #tpu.memory_space<vmem>> -> memref<128xi32, #tpu.memory_space<vmem>>
    %dma_start3A_125 = arith.constant 0 : i32
    %dma_start3A_126 = tpu.memref_slice %arg4[%dma_start3A_125] : memref<300000xf32, #tpu.memory_space<hbm>> -> memref<300000xf32, #tpu.memory_space<hbm>>
    tpu.enqueue_indirect_dma source(%dma_start3A_126 : memref<300000xf32, #tpu.memory_space<hbm>>) target(%dma_start3A_122 : memref<128xf32, #tpu.memory_space<vmem>>) offsets(%dma_start3A_124 : memref<128xi32, #tpu.memory_space<vmem>>) semaphore(%arg12 : memref<!tpu.dma_semaphore, #tpu.memory_space<semaphore_mem>>)
    %dma_start3A_127 = arith.constant 1280 : i32
    %dma_start3A_128 = tpu.memref_slice %arg11[%dma_start3A_127] : memref<2048xf32, #tpu.memory_space<vmem>> -> memref<128xf32, #tpu.memory_space<vmem>>
    %dma_start3A_129 = arith.constant 1280 : i32
    %dma_start3A_130 = tpu.memref_slice %arg9[%dma_start3A_129] : memref<1536xi32, #tpu.memory_space<vmem>> -> memref<128xi32, #tpu.memory_space<vmem>>
    %dma_start3A_131 = arith.constant 0 : i32
    %dma_start3A_132 = tpu.memref_slice %arg4[%dma_start3A_131] : memref<300000xf32, #tpu.memory_space<hbm>> -> memref<300000xf32, #tpu.memory_space<hbm>>
    tpu.enqueue_indirect_dma source(%dma_start3A_132 : memref<300000xf32, #tpu.memory_space<hbm>>) target(%dma_start3A_128 : memref<128xf32, #tpu.memory_space<vmem>>) offsets(%dma_start3A_130 : memref<128xi32, #tpu.memory_space<vmem>>) semaphore(%arg12 : memref<!tpu.dma_semaphore, #tpu.memory_space<semaphore_mem>>)
    %dma_start3A_133 = arith.constant 1536 : i32
    %dma_start3A_134 = tpu.memref_slice %arg10[%dma_start3A_133] : memref<2048xf32, #tpu.memory_space<vmem>> -> memref<128xf32, #tpu.memory_space<vmem>>
    %dma_start3A_135 = arith.constant 384 : i32
    %dma_start3A_136 = tpu.memref_slice %arg8[%dma_start3A_135] : memref<2048xi32, #tpu.memory_space<vmem>> -> memref<128xi32, #tpu.memory_space<vmem>>
    %dma_start3A_137 = arith.constant 0 : i32
    %dma_start3A_138 = tpu.memref_slice %arg3[%dma_start3A_137] : memref<400000xf32, #tpu.memory_space<hbm>> -> memref<400000xf32, #tpu.memory_space<hbm>>
    tpu.enqueue_indirect_dma source(%dma_start3A_138 : memref<400000xf32, #tpu.memory_space<hbm>>) target(%dma_start3A_134 : memref<128xf32, #tpu.memory_space<vmem>>) offsets(%dma_start3A_136 : memref<128xi32, #tpu.memory_space<vmem>>) semaphore(%arg12 : memref<!tpu.dma_semaphore, #tpu.memory_space<semaphore_mem>>)
    %dma_start3A_139 = arith.constant 1664 : i32
    %dma_start3A_140 = tpu.memref_slice %arg10[%dma_start3A_139] : memref<2048xf32, #tpu.memory_space<vmem>> -> memref<128xf32, #tpu.memory_space<vmem>>
    %dma_start3A_141 = arith.constant 896 : i32
    %dma_start3A_142 = tpu.memref_slice %arg8[%dma_start3A_141] : memref<2048xi32, #tpu.memory_space<vmem>> -> memref<128xi32, #tpu.memory_space<vmem>>
    %dma_start3A_143 = arith.constant 0 : i32
    %dma_start3A_144 = tpu.memref_slice %arg3[%dma_start3A_143] : memref<400000xf32, #tpu.memory_space<hbm>> -> memref<400000xf32, #tpu.memory_space<hbm>>
    tpu.enqueue_indirect_dma source(%dma_start3A_144 : memref<400000xf32, #tpu.memory_space<hbm>>) target(%dma_start3A_140 : memref<128xf32, #tpu.memory_space<vmem>>) offsets(%dma_start3A_142 : memref<128xi32, #tpu.memory_space<vmem>>) semaphore(%arg12 : memref<!tpu.dma_semaphore, #tpu.memory_space<semaphore_mem>>)
    %dma_start3A_145 = arith.constant 1792 : i32
    %dma_start3A_146 = tpu.memref_slice %arg10[%dma_start3A_145] : memref<2048xf32, #tpu.memory_space<vmem>> -> memref<128xf32, #tpu.memory_space<vmem>>
    %dma_start3A_147 = arith.constant 1408 : i32
    %dma_start3A_148 = tpu.memref_slice %arg8[%dma_start3A_147] : memref<2048xi32, #tpu.memory_space<vmem>> -> memref<128xi32, #tpu.memory_space<vmem>>
    %dma_start3A_149 = arith.constant 0 : i32
    %dma_start3A_150 = tpu.memref_slice %arg3[%dma_start3A_149] : memref<400000xf32, #tpu.memory_space<hbm>> -> memref<400000xf32, #tpu.memory_space<hbm>>
    tpu.enqueue_indirect_dma source(%dma_start3A_150 : memref<400000xf32, #tpu.memory_space<hbm>>) target(%dma_start3A_146 : memref<128xf32, #tpu.memory_space<vmem>>) offsets(%dma_start3A_148 : memref<128xi32, #tpu.memory_space<vmem>>) semaphore(%arg12 : memref<!tpu.dma_semaphore, #tpu.memory_space<semaphore_mem>>)
    %dma_start3A_151 = arith.constant 1920 : i32
    %dma_start3A_152 = tpu.memref_slice %arg10[%dma_start3A_151] : memref<2048xf32, #tpu.memory_space<vmem>> -> memref<128xf32, #tpu.memory_space<vmem>>
    %dma_start3A_153 = arith.constant 1920 : i32
    %dma_start3A_154 = tpu.memref_slice %arg8[%dma_start3A_153] : memref<2048xi32, #tpu.memory_space<vmem>> -> memref<128xi32, #tpu.memory_space<vmem>>
    %dma_start3A_155 = arith.constant 0 : i32
    %dma_start3A_156 = tpu.memref_slice %arg3[%dma_start3A_155] : memref<400000xf32, #tpu.memory_space<hbm>> -> memref<400000xf32, #tpu.memory_space<hbm>>
    tpu.enqueue_indirect_dma source(%dma_start3A_156 : memref<400000xf32, #tpu.memory_space<hbm>>) target(%dma_start3A_152 : memref<128xf32, #tpu.memory_space<vmem>>) offsets(%dma_start3A_154 : memref<128xi32, #tpu.memory_space<vmem>>) semaphore(%arg12 : memref<!tpu.dma_semaphore, #tpu.memory_space<semaphore_mem>>)
    %dma_start3A_157 = arith.constant 1536 : i32
    %dma_start3A_158 = tpu.memref_slice %arg11[%dma_start3A_157] : memref<2048xf32, #tpu.memory_space<vmem>> -> memref<128xf32, #tpu.memory_space<vmem>>
    %dma_start3A_159 = arith.constant 384 : i32
    %dma_start3A_160 = tpu.memref_slice %arg9[%dma_start3A_159] : memref<1536xi32, #tpu.memory_space<vmem>> -> memref<128xi32, #tpu.memory_space<vmem>>
    %dma_start3A_161 = arith.constant 0 : i32
    %dma_start3A_162 = tpu.memref_slice %arg4[%dma_start3A_161] : memref<300000xf32, #tpu.memory_space<hbm>> -> memref<300000xf32, #tpu.memory_space<hbm>>
    tpu.enqueue_indirect_dma source(%dma_start3A_162 : memref<300000xf32, #tpu.memory_space<hbm>>) target(%dma_start3A_158 : memref<128xf32, #tpu.memory_space<vmem>>) offsets(%dma_start3A_160 : memref<128xi32, #tpu.memory_space<vmem>>) semaphore(%arg12 : memref<!tpu.dma_semaphore, #tpu.memory_space<semaphore_mem>>)
    %dma_start3A_163 = arith.constant 1664 : i32
    %dma_start3A_164 = tpu.memref_slice %arg11[%dma_start3A_163] : memref<2048xf32, #tpu.memory_space<vmem>> -> memref<128xf32, #tpu.memory_space<vmem>>
    %dma_start3A_165 = arith.constant 896 : i32
    %dma_start3A_166 = tpu.memref_slice %arg9[%dma_start3A_165] : memref<1536xi32, #tpu.memory_space<vmem>> -> memref<128xi32, #tpu.memory_space<vmem>>
    %dma_start3A_167 = arith.constant 0 : i32
    %dma_start3A_168 = tpu.memref_slice %arg4[%dma_start3A_167] : memref<300000xf32, #tpu.memory_space<hbm>> -> memref<300000xf32, #tpu.memory_space<hbm>>
    tpu.enqueue_indirect_dma source(%dma_start3A_168 : memref<300000xf32, #tpu.memory_space<hbm>>) target(%dma_start3A_164 : memref<128xf32, #tpu.memory_space<vmem>>) offsets(%dma_start3A_166 : memref<128xi32, #tpu.memory_space<vmem>>) semaphore(%arg12 : memref<!tpu.dma_semaphore, #tpu.memory_space<semaphore_mem>>)
    %dma_start3A_169 = arith.constant 1792 : i32
    %dma_start3A_170 = tpu.memref_slice %arg11[%dma_start3A_169] : memref<2048xf32, #tpu.memory_space<vmem>> -> memref<128xf32, #tpu.memory_space<vmem>>
    %dma_start3A_171 = arith.constant 1408 : i32
    %dma_start3A_172 = tpu.memref_slice %arg9[%dma_start3A_171] : memref<1536xi32, #tpu.memory_space<vmem>> -> memref<128xi32, #tpu.memory_space<vmem>>
    %dma_start3A_173 = arith.constant 0 : i32
    %dma_start3A_174 = tpu.memref_slice %arg4[%dma_start3A_173] : memref<300000xf32, #tpu.memory_space<hbm>> -> memref<300000xf32, #tpu.memory_space<hbm>>
    tpu.enqueue_indirect_dma source(%dma_start3A_174 : memref<300000xf32, #tpu.memory_space<hbm>>) target(%dma_start3A_170 : memref<128xf32, #tpu.memory_space<vmem>>) offsets(%dma_start3A_172 : memref<128xi32, #tpu.memory_space<vmem>>) semaphore(%arg12 : memref<!tpu.dma_semaphore, #tpu.memory_space<semaphore_mem>>)
    %dma_wait3A = arith.constant 0 : i32
    %dma_wait3A_175 = tpu.memref_slice %arg10[%dma_wait3A] : memref<2048xf32, #tpu.memory_space<vmem>> -> memref<128xf32, #tpu.memory_space<vmem>>
    %dma_wait3A_176 = arith.constant 0 : i32
    %dma_wait3A_177 = tpu.memref_slice %arg8[%dma_wait3A_176] : memref<2048xi32, #tpu.memory_space<vmem>> -> memref<128xi32, #tpu.memory_space<vmem>>
    %dma_wait3A_178 = arith.constant 0 : i32
    %dma_wait3A_179 = tpu.memref_slice %arg3[%dma_wait3A_178] : memref<400000xf32, #tpu.memory_space<hbm>> -> memref<400000xf32, #tpu.memory_space<hbm>>
    tpu.wait_indirect_dma semaphore(%arg12 : memref<!tpu.dma_semaphore, #tpu.memory_space<semaphore_mem>>) src(%dma_wait3A_179 : memref<400000xf32, #tpu.memory_space<hbm>>) dst(%dma_wait3A_175 : memref<128xf32, #tpu.memory_space<vmem>>)
    %dma_wait3A_180 = arith.constant 128 : i32
    %dma_wait3A_181 = tpu.memref_slice %arg10[%dma_wait3A_180] : memref<2048xf32, #tpu.memory_space<vmem>> -> memref<128xf32, #tpu.memory_space<vmem>>
    %dma_wait3A_182 = arith.constant 512 : i32
    %dma_wait3A_183 = tpu.memref_slice %arg8[%dma_wait3A_182] : memref<2048xi32, #tpu.memory_space<vmem>> -> memref<128xi32, #tpu.memory_space<vmem>>
    %dma_wait3A_184 = arith.constant 0 : i32
    %dma_wait3A_185 = tpu.memref_slice %arg3[%dma_wait3A_184] : memref<400000xf32, #tpu.memory_space<hbm>> -> memref<400000xf32, #tpu.memory_space<hbm>>
    tpu.wait_indirect_dma semaphore(%arg12 : memref<!tpu.dma_semaphore, #tpu.memory_space<semaphore_mem>>) src(%dma_wait3A_185 : memref<400000xf32, #tpu.memory_space<hbm>>) dst(%dma_wait3A_181 : memref<128xf32, #tpu.memory_space<vmem>>)
    %dma_wait3A_186 = arith.constant 256 : i32
    %dma_wait3A_187 = tpu.memref_slice %arg10[%dma_wait3A_186] : memref<2048xf32, #tpu.memory_space<vmem>> -> memref<128xf32, #tpu.memory_space<vmem>>
    %dma_wait3A_188 = arith.constant 1024 : i32
    %dma_wait3A_189 = tpu.memref_slice %arg8[%dma_wait3A_188] : memref<2048xi32, #tpu.memory_space<vmem>> -> memref<128xi32, #tpu.memory_space<vmem>>
    %dma_wait3A_190 = arith.constant 0 : i32
    %dma_wait3A_191 = tpu.memref_slice %arg3[%dma_wait3A_190] : memref<400000xf32, #tpu.memory_space<hbm>> -> memref<400000xf32, #tpu.memory_space<hbm>>
    tpu.wait_indirect_dma semaphore(%arg12 : memref<!tpu.dma_semaphore, #tpu.memory_space<semaphore_mem>>) src(%dma_wait3A_191 : memref<400000xf32, #tpu.memory_space<hbm>>) dst(%dma_wait3A_187 : memref<128xf32, #tpu.memory_space<vmem>>)
    %dma_wait3A_192 = arith.constant 384 : i32
    %dma_wait3A_193 = tpu.memref_slice %arg10[%dma_wait3A_192] : memref<2048xf32, #tpu.memory_space<vmem>> -> memref<128xf32, #tpu.memory_space<vmem>>
    %dma_wait3A_194 = arith.constant 1536 : i32
    %dma_wait3A_195 = tpu.memref_slice %arg8[%dma_wait3A_194] : memref<2048xi32, #tpu.memory_space<vmem>> -> memref<128xi32, #tpu.memory_space<vmem>>
    %dma_wait3A_196 = arith.constant 0 : i32
    %dma_wait3A_197 = tpu.memref_slice %arg3[%dma_wait3A_196] : memref<400000xf32, #tpu.memory_space<hbm>> -> memref<400000xf32, #tpu.memory_space<hbm>>
    tpu.wait_indirect_dma semaphore(%arg12 : memref<!tpu.dma_semaphore, #tpu.memory_space<semaphore_mem>>) src(%dma_wait3A_197 : memref<400000xf32, #tpu.memory_space<hbm>>) dst(%dma_wait3A_193 : memref<128xf32, #tpu.memory_space<vmem>>)
    %dma_wait3A_198 = arith.constant 0 : i32
    %dma_wait3A_199 = tpu.memref_slice %arg11[%dma_wait3A_198] : memref<2048xf32, #tpu.memory_space<vmem>> -> memref<128xf32, #tpu.memory_space<vmem>>
    %dma_wait3A_200 = arith.constant 0 : i32
    %dma_wait3A_201 = tpu.memref_slice %arg9[%dma_wait3A_200] : memref<1536xi32, #tpu.memory_space<vmem>> -> memref<128xi32, #tpu.memory_space<vmem>>
    %dma_wait3A_202 = arith.constant 0 : i32
    %dma_wait3A_203 = tpu.memref_slice %arg4[%dma_wait3A_202] : memref<300000xf32, #tpu.memory_space<hbm>> -> memref<300000xf32, #tpu.memory_space<hbm>>
    tpu.wait_indirect_dma semaphore(%arg12 : memref<!tpu.dma_semaphore, #tpu.memory_space<semaphore_mem>>) src(%dma_wait3A_203 : memref<300000xf32, #tpu.memory_space<hbm>>) dst(%dma_wait3A_199 : memref<128xf32, #tpu.memory_space<vmem>>)
    %dma_wait3A_204 = arith.constant 128 : i32
    %dma_wait3A_205 = tpu.memref_slice %arg11[%dma_wait3A_204] : memref<2048xf32, #tpu.memory_space<vmem>> -> memref<128xf32, #tpu.memory_space<vmem>>
    %dma_wait3A_206 = arith.constant 512 : i32
    %dma_wait3A_207 = tpu.memref_slice %arg9[%dma_wait3A_206] : memref<1536xi32, #tpu.memory_space<vmem>> -> memref<128xi32, #tpu.memory_space<vmem>>
    %dma_wait3A_208 = arith.constant 0 : i32
    %dma_wait3A_209 = tpu.memref_slice %arg4[%dma_wait3A_208] : memref<300000xf32, #tpu.memory_space<hbm>> -> memref<300000xf32, #tpu.memory_space<hbm>>
    tpu.wait_indirect_dma semaphore(%arg12 : memref<!tpu.dma_semaphore, #tpu.memory_space<semaphore_mem>>) src(%dma_wait3A_209 : memref<300000xf32, #tpu.memory_space<hbm>>) dst(%dma_wait3A_205 : memref<128xf32, #tpu.memory_space<vmem>>)
    %dma_wait3A_210 = arith.constant 256 : i32
    %dma_wait3A_211 = tpu.memref_slice %arg11[%dma_wait3A_210] : memref<2048xf32, #tpu.memory_space<vmem>> -> memref<128xf32, #tpu.memory_space<vmem>>
    %dma_wait3A_212 = arith.constant 1024 : i32
    %dma_wait3A_213 = tpu.memref_slice %arg9[%dma_wait3A_212] : memref<1536xi32, #tpu.memory_space<vmem>> -> memref<128xi32, #tpu.memory_space<vmem>>
    %dma_wait3A_214 = arith.constant 0 : i32
    %dma_wait3A_215 = tpu.memref_slice %arg4[%dma_wait3A_214] : memref<300000xf32, #tpu.memory_space<hbm>> -> memref<300000xf32, #tpu.memory_space<hbm>>
    tpu.wait_indirect_dma semaphore(%arg12 : memref<!tpu.dma_semaphore, #tpu.memory_space<semaphore_mem>>) src(%dma_wait3A_215 : memref<300000xf32, #tpu.memory_space<hbm>>) dst(%dma_wait3A_211 : memref<128xf32, #tpu.memory_space<vmem>>)
    %dma_wait3A_216 = arith.constant 512 : i32
    %dma_wait3A_217 = tpu.memref_slice %arg10[%dma_wait3A_216] : memref<2048xf32, #tpu.memory_space<vmem>> -> memref<128xf32, #tpu.memory_space<vmem>>
    %dma_wait3A_218 = arith.constant 128 : i32
    %dma_wait3A_219 = tpu.memref_slice %arg8[%dma_wait3A_218] : memref<2048xi32, #tpu.memory_space<vmem>> -> memref<128xi32, #tpu.memory_space<vmem>>
    %dma_wait3A_220 = arith.constant 0 : i32
    %dma_wait3A_221 = tpu.memref_slice %arg3[%dma_wait3A_220] : memref<400000xf32, #tpu.memory_space<hbm>> -> memref<400000xf32, #tpu.memory_space<hbm>>
    tpu.wait_indirect_dma semaphore(%arg12 : memref<!tpu.dma_semaphore, #tpu.memory_space<semaphore_mem>>) src(%dma_wait3A_221 : memref<400000xf32, #tpu.memory_space<hbm>>) dst(%dma_wait3A_217 : memref<128xf32, #tpu.memory_space<vmem>>)
    %dma_wait3A_222 = arith.constant 640 : i32
    %dma_wait3A_223 = tpu.memref_slice %arg10[%dma_wait3A_222] : memref<2048xf32, #tpu.memory_space<vmem>> -> memref<128xf32, #tpu.memory_space<vmem>>
    %dma_wait3A_224 = arith.constant 640 : i32
    %dma_wait3A_225 = tpu.memref_slice %arg8[%dma_wait3A_224] : memref<2048xi32, #tpu.memory_space<vmem>> -> memref<128xi32, #tpu.memory_space<vmem>>
    %dma_wait3A_226 = arith.constant 0 : i32
    %dma_wait3A_227 = tpu.memref_slice %arg3[%dma_wait3A_226] : memref<400000xf32, #tpu.memory_space<hbm>> -> memref<400000xf32, #tpu.memory_space<hbm>>
    tpu.wait_indirect_dma semaphore(%arg12 : memref<!tpu.dma_semaphore, #tpu.memory_space<semaphore_mem>>) src(%dma_wait3A_227 : memref<400000xf32, #tpu.memory_space<hbm>>) dst(%dma_wait3A_223 : memref<128xf32, #tpu.memory_space<vmem>>)
    %dma_wait3A_228 = arith.constant 768 : i32
    %dma_wait3A_229 = tpu.memref_slice %arg10[%dma_wait3A_228] : memref<2048xf32, #tpu.memory_space<vmem>> -> memref<128xf32, #tpu.memory_space<vmem>>
    %dma_wait3A_230 = arith.constant 1152 : i32
    %dma_wait3A_231 = tpu.memref_slice %arg8[%dma_wait3A_230] : memref<2048xi32, #tpu.memory_space<vmem>> -> memref<128xi32, #tpu.memory_space<vmem>>
    %dma_wait3A_232 = arith.constant 0 : i32
    %dma_wait3A_233 = tpu.memref_slice %arg3[%dma_wait3A_232] : memref<400000xf32, #tpu.memory_space<hbm>> -> memref<400000xf32, #tpu.memory_space<hbm>>
    tpu.wait_indirect_dma semaphore(%arg12 : memref<!tpu.dma_semaphore, #tpu.memory_space<semaphore_mem>>) src(%dma_wait3A_233 : memref<400000xf32, #tpu.memory_space<hbm>>) dst(%dma_wait3A_229 : memref<128xf32, #tpu.memory_space<vmem>>)
    %dma_wait3A_234 = arith.constant 896 : i32
    %dma_wait3A_235 = tpu.memref_slice %arg10[%dma_wait3A_234] : memref<2048xf32, #tpu.memory_space<vmem>> -> memref<128xf32, #tpu.memory_space<vmem>>
    %dma_wait3A_236 = arith.constant 1664 : i32
    %dma_wait3A_237 = tpu.memref_slice %arg8[%dma_wait3A_236] : memref<2048xi32, #tpu.memory_space<vmem>> -> memref<128xi32, #tpu.memory_space<vmem>>
    %dma_wait3A_238 = arith.constant 0 : i32
    %dma_wait3A_239 = tpu.memref_slice %arg3[%dma_wait3A_238] : memref<400000xf32, #tpu.memory_space<hbm>> -> memref<400000xf32, #tpu.memory_space<hbm>>
    tpu.wait_indirect_dma semaphore(%arg12 : memref<!tpu.dma_semaphore, #tpu.memory_space<semaphore_mem>>) src(%dma_wait3A_239 : memref<400000xf32, #tpu.memory_space<hbm>>) dst(%dma_wait3A_235 : memref<128xf32, #tpu.memory_space<vmem>>)
    %dma_wait3A_240 = arith.constant 512 : i32
    %dma_wait3A_241 = tpu.memref_slice %arg11[%dma_wait3A_240] : memref<2048xf32, #tpu.memory_space<vmem>> -> memref<128xf32, #tpu.memory_space<vmem>>
    %dma_wait3A_242 = arith.constant 128 : i32
    %dma_wait3A_243 = tpu.memref_slice %arg9[%dma_wait3A_242] : memref<1536xi32, #tpu.memory_space<vmem>> -> memref<128xi32, #tpu.memory_space<vmem>>
    %dma_wait3A_244 = arith.constant 0 : i32
    %dma_wait3A_245 = tpu.memref_slice %arg4[%dma_wait3A_244] : memref<300000xf32, #tpu.memory_space<hbm>> -> memref<300000xf32, #tpu.memory_space<hbm>>
    tpu.wait_indirect_dma semaphore(%arg12 : memref<!tpu.dma_semaphore, #tpu.memory_space<semaphore_mem>>) src(%dma_wait3A_245 : memref<300000xf32, #tpu.memory_space<hbm>>) dst(%dma_wait3A_241 : memref<128xf32, #tpu.memory_space<vmem>>)
    %dma_wait3A_246 = arith.constant 640 : i32
    %dma_wait3A_247 = tpu.memref_slice %arg11[%dma_wait3A_246] : memref<2048xf32, #tpu.memory_space<vmem>> -> memref<128xf32, #tpu.memory_space<vmem>>
    %dma_wait3A_248 = arith.constant 640 : i32
    %dma_wait3A_249 = tpu.memref_slice %arg9[%dma_wait3A_248] : memref<1536xi32, #tpu.memory_space<vmem>> -> memref<128xi32, #tpu.memory_space<vmem>>
    %dma_wait3A_250 = arith.constant 0 : i32
    %dma_wait3A_251 = tpu.memref_slice %arg4[%dma_wait3A_250] : memref<300000xf32, #tpu.memory_space<hbm>> -> memref<300000xf32, #tpu.memory_space<hbm>>
    tpu.wait_indirect_dma semaphore(%arg12 : memref<!tpu.dma_semaphore, #tpu.memory_space<semaphore_mem>>) src(%dma_wait3A_251 : memref<300000xf32, #tpu.memory_space<hbm>>) dst(%dma_wait3A_247 : memref<128xf32, #tpu.memory_space<vmem>>)
    %dma_wait3A_252 = arith.constant 768 : i32
    %dma_wait3A_253 = tpu.memref_slice %arg11[%dma_wait3A_252] : memref<2048xf32, #tpu.memory_space<vmem>> -> memref<128xf32, #tpu.memory_space<vmem>>
    %dma_wait3A_254 = arith.constant 1152 : i32
    %dma_wait3A_255 = tpu.memref_slice %arg9[%dma_wait3A_254] : memref<1536xi32, #tpu.memory_space<vmem>> -> memref<128xi32, #tpu.memory_space<vmem>>
    %dma_wait3A_256 = arith.constant 0 : i32
    %dma_wait3A_257 = tpu.memref_slice %arg4[%dma_wait3A_256] : memref<300000xf32, #tpu.memory_space<hbm>> -> memref<300000xf32, #tpu.memory_space<hbm>>
    tpu.wait_indirect_dma semaphore(%arg12 : memref<!tpu.dma_semaphore, #tpu.memory_space<semaphore_mem>>) src(%dma_wait3A_257 : memref<300000xf32, #tpu.memory_space<hbm>>) dst(%dma_wait3A_253 : memref<128xf32, #tpu.memory_space<vmem>>)
    %dma_wait3A_258 = arith.constant 1024 : i32
    %dma_wait3A_259 = tpu.memref_slice %arg10[%dma_wait3A_258] : memref<2048xf32, #tpu.memory_space<vmem>> -> memref<128xf32, #tpu.memory_space<vmem>>
    %dma_wait3A_260 = arith.constant 256 : i32
    %dma_wait3A_261 = tpu.memref_slice %arg8[%dma_wait3A_260] : memref<2048xi32, #tpu.memory_space<vmem>> -> memref<128xi32, #tpu.memory_space<vmem>>
    %dma_wait3A_262 = arith.constant 0 : i32
    %dma_wait3A_263 = tpu.memref_slice %arg3[%dma_wait3A_262] : memref<400000xf32, #tpu.memory_space<hbm>> -> memref<400000xf32, #tpu.memory_space<hbm>>
    tpu.wait_indirect_dma semaphore(%arg12 : memref<!tpu.dma_semaphore, #tpu.memory_space<semaphore_mem>>) src(%dma_wait3A_263 : memref<400000xf32, #tpu.memory_space<hbm>>) dst(%dma_wait3A_259 : memref<128xf32, #tpu.memory_space<vmem>>)
    %dma_wait3A_264 = arith.constant 1152 : i32
    %dma_wait3A_265 = tpu.memref_slice %arg10[%dma_wait3A_264] : memref<2048xf32, #tpu.memory_space<vmem>> -> memref<128xf32, #tpu.memory_space<vmem>>
    %dma_wait3A_266 = arith.constant 768 : i32
    %dma_wait3A_267 = tpu.memref_slice %arg8[%dma_wait3A_266] : memref<2048xi32, #tpu.memory_space<vmem>> -> memref<128xi32, #tpu.memory_space<vmem>>
    %dma_wait3A_268 = arith.constant 0 : i32
    %dma_wait3A_269 = tpu.memref_slice %arg3[%dma_wait3A_268] : memref<400000xf32, #tpu.memory_space<hbm>> -> memref<400000xf32, #tpu.memory_space<hbm>>
    tpu.wait_indirect_dma semaphore(%arg12 : memref<!tpu.dma_semaphore, #tpu.memory_space<semaphore_mem>>) src(%dma_wait3A_269 : memref<400000xf32, #tpu.memory_space<hbm>>) dst(%dma_wait3A_265 : memref<128xf32, #tpu.memory_space<vmem>>)
    %dma_wait3A_270 = arith.constant 1280 : i32
    %dma_wait3A_271 = tpu.memref_slice %arg10[%dma_wait3A_270] : memref<2048xf32, #tpu.memory_space<vmem>> -> memref<128xf32, #tpu.memory_space<vmem>>
    %dma_wait3A_272 = arith.constant 1280 : i32
    %dma_wait3A_273 = tpu.memref_slice %arg8[%dma_wait3A_272] : memref<2048xi32, #tpu.memory_space<vmem>> -> memref<128xi32, #tpu.memory_space<vmem>>
    %dma_wait3A_274 = arith.constant 0 : i32
    %dma_wait3A_275 = tpu.memref_slice %arg3[%dma_wait3A_274] : memref<400000xf32, #tpu.memory_space<hbm>> -> memref<400000xf32, #tpu.memory_space<hbm>>
    tpu.wait_indirect_dma semaphore(%arg12 : memref<!tpu.dma_semaphore, #tpu.memory_space<semaphore_mem>>) src(%dma_wait3A_275 : memref<400000xf32, #tpu.memory_space<hbm>>) dst(%dma_wait3A_271 : memref<128xf32, #tpu.memory_space<vmem>>)
    %dma_wait3A_276 = arith.constant 1408 : i32
    %dma_wait3A_277 = tpu.memref_slice %arg10[%dma_wait3A_276] : memref<2048xf32, #tpu.memory_space<vmem>> -> memref<128xf32, #tpu.memory_space<vmem>>
    %dma_wait3A_278 = arith.constant 1792 : i32
    %dma_wait3A_279 = tpu.memref_slice %arg8[%dma_wait3A_278] : memref<2048xi32, #tpu.memory_space<vmem>> -> memref<128xi32, #tpu.memory_space<vmem>>
    %dma_wait3A_280 = arith.constant 0 : i32
    %dma_wait3A_281 = tpu.memref_slice %arg3[%dma_wait3A_280] : memref<400000xf32, #tpu.memory_space<hbm>> -> memref<400000xf32, #tpu.memory_space<hbm>>
    tpu.wait_indirect_dma semaphore(%arg12 : memref<!tpu.dma_semaphore, #tpu.memory_space<semaphore_mem>>) src(%dma_wait3A_281 : memref<400000xf32, #tpu.memory_space<hbm>>) dst(%dma_wait3A_277 : memref<128xf32, #tpu.memory_space<vmem>>)
    %dma_wait3A_282 = arith.constant 1024 : i32
    %dma_wait3A_283 = tpu.memref_slice %arg11[%dma_wait3A_282] : memref<2048xf32, #tpu.memory_space<vmem>> -> memref<128xf32, #tpu.memory_space<vmem>>
    %dma_wait3A_284 = arith.constant 256 : i32
    %dma_wait3A_285 = tpu.memref_slice %arg9[%dma_wait3A_284] : memref<1536xi32, #tpu.memory_space<vmem>> -> memref<128xi32, #tpu.memory_space<vmem>>
    %dma_wait3A_286 = arith.constant 0 : i32
    %dma_wait3A_287 = tpu.memref_slice %arg4[%dma_wait3A_286] : memref<300000xf32, #tpu.memory_space<hbm>> -> memref<300000xf32, #tpu.memory_space<hbm>>
    tpu.wait_indirect_dma semaphore(%arg12 : memref<!tpu.dma_semaphore, #tpu.memory_space<semaphore_mem>>) src(%dma_wait3A_287 : memref<300000xf32, #tpu.memory_space<hbm>>) dst(%dma_wait3A_283 : memref<128xf32, #tpu.memory_space<vmem>>)
    %dma_wait3A_288 = arith.constant 1152 : i32
    %dma_wait3A_289 = tpu.memref_slice %arg11[%dma_wait3A_288] : memref<2048xf32, #tpu.memory_space<vmem>> -> memref<128xf32, #tpu.memory_space<vmem>>
    %dma_wait3A_290 = arith.constant 768 : i32
    %dma_wait3A_291 = tpu.memref_slice %arg9[%dma_wait3A_290] : memref<1536xi32, #tpu.memory_space<vmem>> -> memref<128xi32, #tpu.memory_space<vmem>>
    %dma_wait3A_292 = arith.constant 0 : i32
    %dma_wait3A_293 = tpu.memref_slice %arg4[%dma_wait3A_292] : memref<300000xf32, #tpu.memory_space<hbm>> -> memref<300000xf32, #tpu.memory_space<hbm>>
    tpu.wait_indirect_dma semaphore(%arg12 : memref<!tpu.dma_semaphore, #tpu.memory_space<semaphore_mem>>) src(%dma_wait3A_293 : memref<300000xf32, #tpu.memory_space<hbm>>) dst(%dma_wait3A_289 : memref<128xf32, #tpu.memory_space<vmem>>)
    %dma_wait3A_294 = arith.constant 1280 : i32
    %dma_wait3A_295 = tpu.memref_slice %arg11[%dma_wait3A_294] : memref<2048xf32, #tpu.memory_space<vmem>> -> memref<128xf32, #tpu.memory_space<vmem>>
    %dma_wait3A_296 = arith.constant 1280 : i32
    %dma_wait3A_297 = tpu.memref_slice %arg9[%dma_wait3A_296] : memref<1536xi32, #tpu.memory_space<vmem>> -> memref<128xi32, #tpu.memory_space<vmem>>
    %dma_wait3A_298 = arith.constant 0 : i32
    %dma_wait3A_299 = tpu.memref_slice %arg4[%dma_wait3A_298] : memref<300000xf32, #tpu.memory_space<hbm>> -> memref<300000xf32, #tpu.memory_space<hbm>>
    tpu.wait_indirect_dma semaphore(%arg12 : memref<!tpu.dma_semaphore, #tpu.memory_space<semaphore_mem>>) src(%dma_wait3A_299 : memref<300000xf32, #tpu.memory_space<hbm>>) dst(%dma_wait3A_295 : memref<128xf32, #tpu.memory_space<vmem>>)
    %dma_wait3A_300 = arith.constant 1536 : i32
    %dma_wait3A_301 = tpu.memref_slice %arg10[%dma_wait3A_300] : memref<2048xf32, #tpu.memory_space<vmem>> -> memref<128xf32, #tpu.memory_space<vmem>>
    %dma_wait3A_302 = arith.constant 384 : i32
    %dma_wait3A_303 = tpu.memref_slice %arg8[%dma_wait3A_302] : memref<2048xi32, #tpu.memory_space<vmem>> -> memref<128xi32, #tpu.memory_space<vmem>>
    %dma_wait3A_304 = arith.constant 0 : i32
    %dma_wait3A_305 = tpu.memref_slice %arg3[%dma_wait3A_304] : memref<400000xf32, #tpu.memory_space<hbm>> -> memref<400000xf32, #tpu.memory_space<hbm>>
    tpu.wait_indirect_dma semaphore(%arg12 : memref<!tpu.dma_semaphore, #tpu.memory_space<semaphore_mem>>) src(%dma_wait3A_305 : memref<400000xf32, #tpu.memory_space<hbm>>) dst(%dma_wait3A_301 : memref<128xf32, #tpu.memory_space<vmem>>)
    %dma_wait3A_306 = arith.constant 1664 : i32
    %dma_wait3A_307 = tpu.memref_slice %arg10[%dma_wait3A_306] : memref<2048xf32, #tpu.memory_space<vmem>> -> memref<128xf32, #tpu.memory_space<vmem>>
    %dma_wait3A_308 = arith.constant 896 : i32
    %dma_wait3A_309 = tpu.memref_slice %arg8[%dma_wait3A_308] : memref<2048xi32, #tpu.memory_space<vmem>> -> memref<128xi32, #tpu.memory_space<vmem>>
    %dma_wait3A_310 = arith.constant 0 : i32
    %dma_wait3A_311 = tpu.memref_slice %arg3[%dma_wait3A_310] : memref<400000xf32, #tpu.memory_space<hbm>> -> memref<400000xf32, #tpu.memory_space<hbm>>
    tpu.wait_indirect_dma semaphore(%arg12 : memref<!tpu.dma_semaphore, #tpu.memory_space<semaphore_mem>>) src(%dma_wait3A_311 : memref<400000xf32, #tpu.memory_space<hbm>>) dst(%dma_wait3A_307 : memref<128xf32, #tpu.memory_space<vmem>>)
    %dma_wait3A_312 = arith.constant 1792 : i32
    %dma_wait3A_313 = tpu.memref_slice %arg10[%dma_wait3A_312] : memref<2048xf32, #tpu.memory_space<vmem>> -> memref<128xf32, #tpu.memory_space<vmem>>
    %dma_wait3A_314 = arith.constant 1408 : i32
    %dma_wait3A_315 = tpu.memref_slice %arg8[%dma_wait3A_314] : memref<2048xi32, #tpu.memory_space<vmem>> -> memref<128xi32, #tpu.memory_space<vmem>>
    %dma_wait3A_316 = arith.constant 0 : i32
    %dma_wait3A_317 = tpu.memref_slice %arg3[%dma_wait3A_316] : memref<400000xf32, #tpu.memory_space<hbm>> -> memref<400000xf32, #tpu.memory_space<hbm>>
    tpu.wait_indirect_dma semaphore(%arg12 : memref<!tpu.dma_semaphore, #tpu.memory_space<semaphore_mem>>) src(%dma_wait3A_317 : memref<400000xf32, #tpu.memory_space<hbm>>) dst(%dma_wait3A_313 : memref<128xf32, #tpu.memory_space<vmem>>)
    %dma_wait3A_318 = arith.constant 1920 : i32
    %dma_wait3A_319 = tpu.memref_slice %arg10[%dma_wait3A_318] : memref<2048xf32, #tpu.memory_space<vmem>> -> memref<128xf32, #tpu.memory_space<vmem>>
    %dma_wait3A_320 = arith.constant 1920 : i32
    %dma_wait3A_321 = tpu.memref_slice %arg8[%dma_wait3A_320] : memref<2048xi32, #tpu.memory_space<vmem>> -> memref<128xi32, #tpu.memory_space<vmem>>
    %dma_wait3A_322 = arith.constant 0 : i32
    %dma_wait3A_323 = tpu.memref_slice %arg3[%dma_wait3A_322] : memref<400000xf32, #tpu.memory_space<hbm>> -> memref<400000xf32, #tpu.memory_space<hbm>>
    tpu.wait_indirect_dma semaphore(%arg12 : memref<!tpu.dma_semaphore, #tpu.memory_space<semaphore_mem>>) src(%dma_wait3A_323 : memref<400000xf32, #tpu.memory_space<hbm>>) dst(%dma_wait3A_319 : memref<128xf32, #tpu.memory_space<vmem>>)
    %dma_wait3A_324 = arith.constant 1536 : i32
    %dma_wait3A_325 = tpu.memref_slice %arg11[%dma_wait3A_324] : memref<2048xf32, #tpu.memory_space<vmem>> -> memref<128xf32, #tpu.memory_space<vmem>>
    %dma_wait3A_326 = arith.constant 384 : i32
    %dma_wait3A_327 = tpu.memref_slice %arg9[%dma_wait3A_326] : memref<1536xi32, #tpu.memory_space<vmem>> -> memref<128xi32, #tpu.memory_space<vmem>>
    %dma_wait3A_328 = arith.constant 0 : i32
    %dma_wait3A_329 = tpu.memref_slice %arg4[%dma_wait3A_328] : memref<300000xf32, #tpu.memory_space<hbm>> -> memref<300000xf32, #tpu.memory_space<hbm>>
    tpu.wait_indirect_dma semaphore(%arg12 : memref<!tpu.dma_semaphore, #tpu.memory_space<semaphore_mem>>) src(%dma_wait3A_329 : memref<300000xf32, #tpu.memory_space<hbm>>) dst(%dma_wait3A_325 : memref<128xf32, #tpu.memory_space<vmem>>)
    %dma_wait3A_330 = arith.constant 1664 : i32
    %dma_wait3A_331 = tpu.memref_slice %arg11[%dma_wait3A_330] : memref<2048xf32, #tpu.memory_space<vmem>> -> memref<128xf32, #tpu.memory_space<vmem>>
    %dma_wait3A_332 = arith.constant 896 : i32
    %dma_wait3A_333 = tpu.memref_slice %arg9[%dma_wait3A_332] : memref<1536xi32, #tpu.memory_space<vmem>> -> memref<128xi32, #tpu.memory_space<vmem>>
    %dma_wait3A_334 = arith.constant 0 : i32
    %dma_wait3A_335 = tpu.memref_slice %arg4[%dma_wait3A_334] : memref<300000xf32, #tpu.memory_space<hbm>> -> memref<300000xf32, #tpu.memory_space<hbm>>
    tpu.wait_indirect_dma semaphore(%arg12 : memref<!tpu.dma_semaphore, #tpu.memory_space<semaphore_mem>>) src(%dma_wait3A_335 : memref<300000xf32, #tpu.memory_space<hbm>>) dst(%dma_wait3A_331 : memref<128xf32, #tpu.memory_space<vmem>>)
    %dma_wait3A_336 = arith.constant 1792 : i32
    %dma_wait3A_337 = tpu.memref_slice %arg11[%dma_wait3A_336] : memref<2048xf32, #tpu.memory_space<vmem>> -> memref<128xf32, #tpu.memory_space<vmem>>
    %dma_wait3A_338 = arith.constant 1408 : i32
    %dma_wait3A_339 = tpu.memref_slice %arg9[%dma_wait3A_338] : memref<1536xi32, #tpu.memory_space<vmem>> -> memref<128xi32, #tpu.memory_space<vmem>>
    %dma_wait3A_340 = arith.constant 0 : i32
    %dma_wait3A_341 = tpu.memref_slice %arg4[%dma_wait3A_340] : memref<300000xf32, #tpu.memory_space<hbm>> -> memref<300000xf32, #tpu.memory_space<hbm>>
    tpu.wait_indirect_dma semaphore(%arg12 : memref<!tpu.dma_semaphore, #tpu.memory_space<semaphore_mem>>) src(%dma_wait3A_341 : memref<300000xf32, #tpu.memory_space<hbm>>) dst(%dma_wait3A_337 : memref<128xf32, #tpu.memory_space<vmem>>)
    %mul3A_342 = arith.constant 4 : i32
    %mul3A_343 = arith.muli %mul3A_2, %mul3A_342 : i32
    "tpu.region"() ({
      %run_scoped3A = tpu.sem_alloc : memref<!tpu.dma_semaphore, #tpu.memory_space<semaphore_mem>>
      %dma_start3A_346 = tpu.memref_slice %arg5[%mul3A_343] : memref<65536xf32, #tpu.memory_space<hbm>> -> memref<2048xf32, #tpu.memory_space<hbm>>
      %dma_start3A_347 = tpu.memref_slice %arg5[%mul3A_343] : memref<65536xf32, #tpu.memory_space<hbm>> -> memref<2048xf32, #tpu.memory_space<hbm>>
      tpu.enqueue_dma source(%arg10 : memref<2048xf32, #tpu.memory_space<vmem>>) target(%dma_start3A_347 : memref<2048xf32, #tpu.memory_space<hbm>>) target_semaphore(%run_scoped3A : memref<!tpu.dma_semaphore, #tpu.memory_space<semaphore_mem>>)
      %dma_wait3A_348 = tpu.memref_slice %arg5[%mul3A_343] : memref<65536xf32, #tpu.memory_space<hbm>> -> memref<2048xf32, #tpu.memory_space<hbm>>
      %dma_wait3A_349 = tpu.memref_slice %arg5[%mul3A_343] : memref<65536xf32, #tpu.memory_space<hbm>> -> memref<2048xf32, #tpu.memory_space<hbm>>
      tpu.wait_dma2 semaphore(%run_scoped3A : memref<!tpu.dma_semaphore, #tpu.memory_space<semaphore_mem>>) src(%arg10 : memref<2048xf32, #tpu.memory_space<vmem>>) dst(%dma_wait3A_349 : memref<2048xf32, #tpu.memory_space<hbm>>)
      tpu.yield
    }) : () -> ()
    %mul3A_344 = arith.constant 4 : i32
    %mul3A_345 = arith.muli %mul3A_2, %mul3A_344 : i32
    "tpu.region"() ({
      %run_scoped3A = tpu.sem_alloc : memref<!tpu.dma_semaphore, #tpu.memory_space<semaphore_mem>>
      %dma_start3A_346 = tpu.memref_slice %arg6[%mul3A_345] : memref<65536xf32, #tpu.memory_space<hbm>> -> memref<2048xf32, #tpu.memory_space<hbm>>
      %dma_start3A_347 = tpu.memref_slice %arg6[%mul3A_345] : memref<65536xf32, #tpu.memory_space<hbm>> -> memref<2048xf32, #tpu.memory_space<hbm>>
      tpu.enqueue_dma source(%arg11 : memref<2048xf32, #tpu.memory_space<vmem>>) target(%dma_start3A_347 : memref<2048xf32, #tpu.memory_space<hbm>>) target_semaphore(%run_scoped3A : memref<!tpu.dma_semaphore, #tpu.memory_space<semaphore_mem>>)
      %dma_wait3A_348 = tpu.memref_slice %arg6[%mul3A_345] : memref<65536xf32, #tpu.memory_space<hbm>> -> memref<2048xf32, #tpu.memory_space<hbm>>
      %dma_wait3A_349 = tpu.memref_slice %arg6[%mul3A_345] : memref<65536xf32, #tpu.memory_space<hbm>> -> memref<2048xf32, #tpu.memory_space<hbm>>
      tpu.wait_dma2 semaphore(%run_scoped3A : memref<!tpu.dma_semaphore, #tpu.memory_space<semaphore_mem>>) src(%arg11 : memref<2048xf32, #tpu.memory_space<vmem>>) dst(%dma_wait3A_349 : memref<2048xf32, #tpu.memory_space<hbm>>)
      tpu.yield
    }) : () -> ()
    return
  }
}

</mosaic_0001>

<sc_bundles>
// kernel: kernel.3.cloned.1.call-start
scs
__scs_entry_jumppad:
0x0: {  	(pc) =	sbr.rel $0x88, $3  }
0x1: {  	(tag) =	ssettag $0x0;
	lr =	simm.s32 $0x1  }
0x2: {  	[smem:$0x3F9E] =	sst lr;
	_ =	strace $0xD0000000  }
0x3: {  	_ = 	snop  }
0x4: {  	_ = 	snop  }
0x5: {  	_ = 	snop  }
0x6: {  	_ = 	snop  }
0x7: {  	_ = 	snop  }
__scs_overlays_trampoline_lowered:
0x8: {  	[smem:$0x3FAD] =	sst s0  }
0x9: {  	[smem:$0x3FAE] =	sst s1  }
0xa: {  	[smem:$0x3FAF] =	sst s2  }
0xb: {  	[smem:$0x3FB0] =	sst s3  }
0xc: {  	[smem:$0x3FB1] =	sst s4  }
0xd: {  	[smem:$0x3FB2] =	sst s5  }
0xe: {  	[smem:$0x3FB3] =	sst s6  }
0xf: {  	[smem:$0x3FB4] =	sst s7  }
0x10: {  	[smem:$0x3FB5] =	sst s8  }
0x11: {  	[smem:$0x3FB6] =	sst s9;
	s0 =	simm.s32 @!p0 $0x0  }
0x12: {  	s1 =	sld [smem:$0x3F9C];
	s0 =	simm.s32 @p0 $0x1  }
0x13: {  	[smem:$0x3FB7] =	sst s0;
	s0 =	simm.s32 @!p1 $0x0  }
0x14: {  	s2 =	sld [smem:$0x3F9B];
	s0 =	simm.s32 @p1 $0x1  }
0x15: {  	[smem:$0x3FB8] =	sst s0;
	s0 =	simm.s32 @!p2 $0x0  }
0x16: {  	s3 =	sld [smem:$0x3FDB];
	s0 =	simm.s32 @p2 $0x1  }
0x17: {  	s4 =	simm.s32 $0x1BF5;
	[smem:$0x3FBA] =	sst s0  }
0x18: {  	s0 =	sld [smem:$0x3F9D];
	_ =	swait.ge [sflag:s4], $0x0  }
0x19: {  	s7 =	sld [smem:$0x3F9E]  }
0x1a: {  	s8 =	sadd.s32 $0xFFFFE003, lr  }
0x1b: {  	s9 =	sadd.s32 $0xFFFFFEF7, lr;
	s5 =	simm.s32 $0xFFFFFFFF;
	p2 =	slt.u32 s8, $0xFFFFF086  }
0x1c: {  	p1 =	slt.u32 s9, $0xF7A;
	s5 =	simm.s32 @!p2 $0x0  }
0x1d: {  	s5 =	simm.s32 @p1 $0x1;
	p0 =	seq.s32 s7, s2  }
0x1e: {  	s7 =	smul.u32 @!p0 $0xF7A, s2;
	p2 =	seq.s32 @!p0 s5, $0x0  }
0x1f: {  	s9 =	smul.u32 $0xF7A, s1;
	s8 =	simm.s32 @!p0 $0x1BF5;
	p2 =	por !p2, p0  }
0x20: {  	[sflag:s8] =	ssyncset.s32 @!p0 $0xFFFFF086;
	s6 =	sadd.s32 @!p0 s3, s7;
	s7 =	simm.s32 @!p0 $0x108  }
0x21: {  	s3 =	sadd.s32 s3, s9;
	s6 =	sadd.s32 @!p0 $0x88, s6;
	s7 =	simm.s32 @p2 $0x1082  }
0x22: {  	[simem:s7], [sflag:s8] =	dma.local @!p0 [hbm:s6], $0xF7A  }
0x23: {  	s9 =	sor.u32 $0xD0000000, s2;
	s6 =	simm.s32 $0x108;
	_ =	swait.ge @!p0 [sflag:s8], $0x0  }
0x24: {  	s3 =	sadd.s32 $0x88, s3;
	s6 =	simm.s32 @!p1 $0x1082;
	[sflag:s4] =	ssyncset.s32 $0xFFFFF086  }
0x25: {  	[simem:s6], [sflag:s4] =	dma.local [hbm:s3], $0xF7A  }
0x26: {  	[smem:$0x3F9E] =	sst s1;
	(tag) =	ssettag s2;
	_ =	strace s9  }
0x27: {  	s1 =	sld [smem:$0x3FAE]  }
0x28: {  	s2 =	sld [smem:$0x3FAF]  }
0x29: {  	s4 =	sld [smem:$0x3FB1]  }
0x2a: {  	p0 =	seq.s32 s5, $0x0;
	s5 =	sld [smem:$0x3FB2]  }
0x2b: {  	s6 =	sld [smem:$0x3FB3]  }
0x2c: {  	s7 =	sld [smem:$0x3FB4]  }
0x2d: {  	s3 =	simm.s32 $0x108;
	s8 =	sld [smem:$0x3FB5]  }
0x2e: {  	s3 =	simm.s32 @!p0 $0x1082;
	s9 =	sld [smem:$0x3FB6]  }
0x2f: {  	lr =	sadd.s32 s0, s3;
	s0 =	sld [smem:$0x3FAD]  }
0x30: {  	s3 =	sld [smem:$0x3FB0]  }
0x31: {  	[smem:$0x3FB9] =	sst s10  }
0x32: {  	s10 =	sld [smem:$0x3FB7];
	_ =	sdelay $0x3  }
0x33: {  	p0 =	seq.s32 s10, $0x1;
	s10 =	sld [smem:$0x3FB9];
	_ =	sdelay $0x3  }
0x34: {  	[smem:$0x3FB9] =	sst s10  }
0x35: {  	s10 =	sld [smem:$0x3FB8];
	_ =	sdelay $0x3  }
0x36: {  	p1 =	seq.s32 s10, $0x1;
	s10 =	sld [smem:$0x3FB9];
	_ =	sdelay $0x3  }
0x37: {  	[smem:$0x3FB9] =	sst s10  }
0x38: {  	s10 =	sld [smem:$0x3FBA]  }
0x39: {  	_ = 	snop;
	(pc) =	sbr.ind lr, $3  }
0x3a: {  	_ = 	snop  }
0x3b: {  	_ = 	snop  }
0x3c: {  	p2 =	seq.s32 s10, $0x1;
	s10 =	sld [smem:$0x3FB9]  }
0x3d: {  	_ =	shalt  }
0x3e: {  	_ =	shalt  }
0x3f: {  	_ =	shalt  }
0x40: {  	_ =	shalt  }
0x41: {  	_ =	shalt  }
0x42: {  	_ =	shalt  }
0x43: {  	_ =	shalt  }
0x44: {  	_ =	shalt  }
0x45: {  	_ =	shalt  }
0x46: {  	_ =	shalt  }
0x47: {  	_ =	shalt  }
0x48: {  	_ =	shalt  }
0x49: {  	_ =	shalt  }
0x4a: {  	_ =	shalt  }
0x4b: {  	_ =	shalt  }
0x4c: {  	_ =	shalt  }
0x4d: {  	_ =	shalt  }
0x4e: {  	_ =	shalt  }
0x4f: {  	_ =	shalt  }
0x50: {  	_ =	shalt  }
0x51: {  	_ =	shalt  }
0x52: {  	_ =	shalt  }
0x53: {  	_ =	shalt  }
0x54: {  	_ =	shalt  }
0x55: {  	_ =	shalt  }
0x56: {  	_ =	shalt  }
0x57: {  	_ =	shalt  }
0x58: {  	_ =	shalt  }
0x59: {  	_ =	shalt  }
0x5a: {  	_ =	shalt  }
0x5b: {  	_ =	shalt  }
0x5c: {  	_ =	shalt  }
0x5d: {  	_ =	shalt  }
0x5e: {  	_ =	shalt  }
0x5f: {  	_ =	shalt  }
0x60: {  	_ =	shalt  }
0x61: {  	_ =	shalt  }
0x62: {  	_ =	shalt  }
0x63: {  	_ =	shalt  }
0x64: {  	_ =	shalt  }
0x65: {  	_ =	shalt  }
0x66: {  	_ =	shalt  }
0x67: {  	_ =	shalt  }
0x68: {  	_ =	shalt  }
0x69: {  	_ =	shalt  }
0x6a: {  	_ =	shalt  }
0x6b: {  	_ =	shalt  }
0x6c: {  	_ =	shalt  }
0x6d: {  	_ =	shalt  }
0x6e: {  	_ =	shalt  }
0x6f: {  	_ =	shalt  }
0x70: {  	_ =	shalt  }
0x71: {  	_ =	shalt  }
0x72: {  	_ =	shalt  }
0x73: {  	_ =	shalt  }
0x74: {  	_ =	shalt  }
0x75: {  	_ =	shalt  }
0x76: {  	_ =	shalt  }
0x77: {  	_ =	shalt  }
0x78: {  	_ =	shalt  }
0x79: {  	_ =	shalt  }
0x7a: {  	_ =	shalt  }
0x7b: {  	_ =	shalt  }
0x7c: {  	_ =	shalt  }
0x7d: {  	_ =	shalt  }
0x7e: {  	_ =	shalt  }
0x7f: {  	_ =	shalt  }
0x80: {  	_ =	shalt  }
0x81: {  	_ =	shalt  }
0x82: {  	_ =	shalt  }
0x83: {  	_ =	shalt  }
0x84: {  	_ =	shalt  }
0x85: {  	_ =	shalt  }
0x86: {  	_ =	shalt  }
0x87: {  	_ =	shalt  }
.Lfunc_end0:
.L_simem_size_0:
called_computation_lowered:
.L_overlay_start_0:
0x88: {  	s2 =	sld [smem:$0x3FD9]  }
0x89: {  	s3 =	sld [smem:$0x3FFE];
	_ =	sdelay $0x1  }
0x8a: {  	s1 =	srdreg.scid  }
0x8b: {  	s0 =	sand.u32 $0x1, s1  }
0x8c: {  	s14 =	sshll.u32 s0, $0xA;
	s2 =	sadd.s32 s3, s2  }
0x8d: {  	s2 =	sadd.s32 s2, s14  }
0x8e: {  	[smem:$0x3FC5] =	sst s2  }
0x8f: {  	_ = 	snop  }
0x90: {  	s2 =	sld [smem:$0x3FD0];
	_ =	sdelay $0x2  }
0x91: {  	s4 =	simm.s32 $0xA;
	s5 =	simm.s32 $0x10;
	s15 =	sld [smem:$0x3FC9]  }
0x92: {  	[smem:s5], [sflag:s4] =	dma.local [hbm:s2], $0x1  }
0x93: {  	_ =	swait.eq [sflag:s4], $0x1  }
0x94: {  	[sflag:s4] =	ssyncset.done $0x0  }
0x95: {  	s16 =	sld [smem:$0x10];
	[sflag:s4] =	ssyncadd.s32 $0xFFFFFFFF  }
0x96: {  	s17 =	sld [smem:$0x11];
	(tm) =	ssettm $0x1  }
0x97: {  	s18 =	sld [smem:$0x3FFB];
	_ =	sdelay $0x3  }
0x98: {  	_ =	strace s18  }
0x99: {  	s5 =	sld [smem:$0x3FFC];
	_ =	sdelay $0x3  }
0x9a: {  	_ =	strace s5  }
0x9b: {  	s5 =	sld [smem:$0x3FFD];
	_ =	sdelay $0x3  }
0x9c: {  	_ =	strace s5  }
0x9d: {  	_ =	strace $0x8FFFFFFF  }
0x9e: {  	s19 =	sld [smem:$0x3FDB];
	_ =	sdelay $0x1  }
0x9f: {  	s6 =	simm.s32 $_scs_section_size  }
0xa0: {  	s7 =	simm.s32 $_size__tile_overlayer_lowered;
	s8 =	simm.s32 $_tile_overlayer_lowered  }
0xa1: {  	s22 =	simm.s32 $0x1BFF;
	s21 =	sshll.u32 s8, $0x1;
	s5 =	sadd.s32 s6, s19  }
0xa2: {  	s9 =	simm.s32 $0x0;
	s20 =	sshll.u32 s7, $0x1;
	s7 =	sadd.s32 s21, s5  }
0xa3: {  	[timem:s9], [sflag:s22] =	dma.local [hbm:s7], s20  }
0xa4: {  	_ =	swait.ge [sflag:s22], s20  }
0xa5: {  	s6 =	ssub.s32 $0x0, s20;
	[sflag:s22] =	ssyncset.done $0x0  }
0xa6: {  	[sflag:s22] =	ssyncadd.s32 s6;
	_ =	sdelay $0x1  }
0xa7: {  	s23 =	simm.s32 $0x1B8B  }
0xa8: {  	_ =	swait.ge [sflag:s23], $0x1  }
0xa9: {  	[sflag:s23] =	ssyncset.done $0x0  }
0xaa: {  	s25 =	simm.s32 $0x1B8E;
	s24 =	sld [smem:$0x3FFE];
	[sflag:s23] =	ssyncadd.s32 $0xFFFFFFFF  }
0xab: {  	s26 =	simm.s32 $execute0_lowered;
	[smem:$0x3FD2] =	sst s25  }
0xac: {  	s7 =	sshll.u32 s26, $0x1;
	_ =	strace $0x80000046;
	[dreg:$0x1] =	wrdreg $0xFFFFFFFF  }
0xad: {  	s28 =	simm.s32 $_size_execute0_lowered;
	s5 =	sadd.s32 s5, s7;
	[dreg:$0x0] =	wrdreg $0x0  }
0xae: {  	s7 =	sshll.u32 s28, $0x1;
	[dreg:$0x2] =	wrdreg s5  }
0xaf: {  	[dreg:$0x3] =	wrdreg s7  }
0xb0: {  	[dreg:$0x4] =	wrdreg $0xC0  }
0xb1: {  	_ =	task [dreg:s9], $0x5FFFF  }
0xb2: {  	[dreg:$0x1] =	wrdreg $0xFFFFFFFF  }
0xb3: {  	[dreg:$0x0] =	wrdreg $0x60  }
0xb4: {  	[dreg:$0x2] =	wrdreg s15  }
0xb5: {  	[dreg:$0x3] =	wrdreg s24  }
0xb6: {  	[dreg:$0x4] =	wrdreg s16  }
0xb7: {  	[dreg:$0x5] =	wrdreg s17  }
0xb8: {  	[dreg:$0x6] =	wrdreg $0x9  }
0xb9: {  	_ =	task.clear_ibuf [dreg:s9], $0x7FFFF;
	_ =	strace $0x90000046  }
0xba: {  	s29 =	simm.s32 $0x9;
	_ =	strace $0x80000048  }
0xbb: {  	_ =	swait.ge [sflag:s29], $0x1  }
0xbc: {  	[sflag:s29] =	ssyncadd.s32 $0xFFFFFFFF  }
0xbd: {  	_ =	strace $0x90000048  }
0xbe: {  	_ =	sfence  }
0xbf: {  	s30 =	sld [smem:$0x0];
	_ =	sdelay $0x2  }
0xc0: {  	s31 =	sshll.u32 s1, $0xD;
	s1 =	sshrl.u32 s1, $0x2  }
0xc1: {  	s3 =	sand.u32 $0x4000, s31;
	s1 =	sadd.s32 s1, s30  }
0xc2: {  	s0 =	sor.u32 s3, s0;
	s1 =	sshll.u32 s1, $0x11  }
0xc3: {  	s0 =	sor.u32 s1, s0  }
0xc4: {  	s0 =	sadd.s32 $0x8F2B, s0  }
0xc5: {  	[sflag:s0] =	ssyncadd.remote.s32 $0x1  }
0xc6: {  	_ =	sfence.sel $0xFFFF  }
0xc7: {  	[dreg:$0x0] =	wrdreg $0xFFFFFFFF;
	(pc) =	sbr.abs _section_cstart, $3  }
0xc8: {  	[dreg:$0x1] =	wrdreg $0xFFFFFFFF  }
0xc9: {  	_ =	task.clear_ibuf [dreg:s9], $0x2FFFF;
	_ =	strace $0x9FFFFFFF  }
0xca: {  	(tm) =	ssettm $0x7FFFFFFF  }
0xcb: {  	_ =	shalt  }
tec
execute0_lowered:
.L_overlay_start_1:
0x0: {  	(tag) =	ssettag $0x1  }
0x1: {  	s0 =	rddreg [dreg:$0x0]  }
0x2: {  	s1 =	rddreg [dreg:$0x1]  }
0x3: {  	s6 =	rddreg [dreg:$0x2]  }
0x4: {  	s7 =	rddreg [dreg:$0x3];
	s2 =	simm.s32 $0x0  }
0x5: {  	s3 =	srdreg.scid;
	s5 =	stileid.u32;
	s10 =	simm.s32 $0x80  }
0x6: {  	s12 =	simm.s32 $0x1000;
	s20 =	simm.s32 $0x1800;
	s11 =	simm.s32 $0x380  }
0x7: {  	s13 =	simm.s32 $0x1600;
	s14 =	simm.s32 $0x580;
	s15 =	simm.s32 $0x1680  }
0x8: {  	s16 =	simm.s32 $0x780;
	s17 =	simm.s32 $0x1700;
	s18 =	simm.s32 $0x980  }
0x9: {  	s19 =	simm.s32 $0x1780;
	s21 =	simm.s32 $0xB80;
	s22 =	simm.s32 $0x1E00  }
0xa: {  	s23 =	simm.s32 $0xD80;
	s24 =	simm.s32 $0x1E80;
	s25 =	simm.s32 $0xF80  }
0xb: {  	s26 =	simm.s32 $0x1F00;
	s28 =	simm.s32 $0x1;
	s29 =	simm.s32 $0x0  }
0xc: {  	[smem:$0x7FF] =	sst s2;
	s4 =	sand.u32 $0x1, s3;
	s5 =	sshll.u32 s5, $0x1  }
0xd: {  	s3 =	sadd.s32 $0x9E00, s1;
	_ =	strace $0x80000047;
	s8 =	ssub.s32 $0x2, s4  }
0xe: {  	s9 =	sor.u32 s4, s5;
	s4 =	sadd.s32 $0xA00, s1;
	s30 =	sshrl.u32 s8, $0x1  }
0xf: {  	s5 =	sshll.u32 s9, $0x6;
	s31 =	sshll.u32 s9, $0x8;
	s9 =	simm.s32 $0x2  }
0x10: {  	s1 =	ssub.s32 s8, s30;
	s5 =	sadd.s32 s0, s5;
	s6 =	sadd.s32 s6, s31  }
0x11: {  	s7 =	sadd.s32 s7, s31;
	s8 =	smax.u32 s1, $0x1;
	s1 =	simm.s32 $0x1D00  }
.LBB2_1:
0x12: {  	[tilespmem:s2], [sflag:$0x2] =	stream.linear.gather [hbm4b:s5+s2], $0x200, $0x38;
	[tilespmem:$0x2000] =	vst v63  }
0x13: {  	_ =	swait.ge [sflag:s9], $0x200  }
0x14: {  	[sflag:s9] =	ssyncset.done $0x0  }
0x15: {  	s30 =	simm.s32 $0x0;
	[sflag:s9] =	ssyncadd.s32 $0xFFFFFE00  }
0x16: {  	v0 =	vld [tilespmem:s30+$0x0];
	_ =	sdelay $0x4  }
0x17: {  	[tilespmem:s30+$0x200] =	vst v0;
	v2 =	vadd.s32 $0x30D40, v0  }
0x18: {  	s31 =	simm.s32 $0x10;
	s0 =	simm.s32 $0x80;
	v1 =	vadd.s32 $0x186A0, v0;
	v3 =	vadd.s32 $0x493E0, v0;
	[tilespmem:s30+$0xE00] =	vst v2  }
.LBB2_2:
0x19: {  	p0 =	sne.s32 s0, $0x7C0;
	v4 =	vld [tilespmem:s31+$0x0];
	[tilespmem:s30+$0x400] =	vst v1  }
0x1a: {  	[tilespmem:s30+$0x600] =	vst v2  }
.Ltmp0:
0x1b: {  	[tilespmem:s30+$0x800] =	vst v3;
	(pc) =	sbr.rel @p0 .LBB2_2-.Ltmp0, $4  }
0x1c: {  	[tilespmem:s30+$0xC00] =	vst v1  }
0x1d: {  	[tilespmem:s30+$0xA00] =	vst v0;
	s30 =	smov.u32 s31  }
0x1e: {  	[tilespmem:s30+$0x200] =	vst v4;
	v1 =	vadd.s32 $0x186A0, v4;
	v2 =	vadd.s32 $0x30D40, v4;
	v3 =	vadd.s32 $0x493E0, v4;
	v0 =	vmovc v4  }
0x1f: {  	s31 =	sshra.s32 s0, $0x2;
	s0 =	sadd.s32 $0x40, s0;
	[tilespmem:s30+$0xE00] =	vst v2  }
0x20: {  	v4 =	vld [tilespmem:s31+$0x0];
	[tilespmem:s30+$0x400] =	vst v1  }
0x21: {  	[tilespmem:s30+$0x600] =	vst v2  }
0x22: {  	[tilespmem:s30+$0x800] =	vst v3  }
0x23: {  	[tilespmem:s30+$0xC00] =	vst v1  }
0x24: {  	[tilespmem:s30+$0xA00] =	vst v0  }
0x25: {  	[tilespmem:s31+$0x200] =	vst v4  }
0x26: {  	v61 =	vadd.s32 $0x30D40, v4;
	[tilespmem:s31+$0xA00] =	vst v4  }
0x27: {  	v62 =	vadd.s32 $0x186A0, v4;
	[tilespmem:s31+$0xE00] =	vst v61  }
0x28: {  	[tilespmem:s31+$0x400] =	vst v62  }
0x29: {  	v63 =	vadd.s32 $0x493E0, v4;
	[tilespmem:s31+$0x600] =	vst v61  }
0x2a: {  	[tilespmem:s31+$0x800] =	vst v63  }
0x2b: {  	s0 =	simm.s32 $0x200;
	[tilespmem:s31+$0xC00] =	vst v62  }
0x2c: {  	[tilespmem:s12], [sflag:$0x1] =	stream.indirect.gather [hbm4b:s3+s10], $0x1, s0, s10, $0xb8;
	[tilespmem:$0x2000] =	vst v63  }
0x2d: {  	s31 =	simm.s32 $0x1080;
	s0 =	simm.s32 $0x400  }
0x2e: {  	[tilespmem:s31], [sflag:$0x1] =	stream.indirect.gather [hbm4b:s3+s10], $0x1, s0, s10, $0xb8;
	[tilespmem:$0x2000] =	vst v63  }
0x2f: {  	s0 =	simm.s32 $0x600;
	s31 =	simm.s32 $0x1100  }
0x30: {  	[tilespmem:s31], [sflag:$0x1] =	stream.indirect.gather [hbm4b:s3+s10], $0x1, s0, s10, $0xb8;
	[tilespmem:$0x2000] =	vst v63  }
0x31: {  	s0 =	simm.s32 $0x800;
	s31 =	simm.s32 $0x1180  }
0x32: {  	[tilespmem:s31], [sflag:$0x1] =	stream.indirect.gather [hbm4b:s3+s10], $0x1, s0, s10, $0xb8;
	[tilespmem:$0x2000] =	vst v63  }
0x33: {  	s30 =	simm.s32 $0xA00  }
0x34: {  	[tilespmem:s20], [sflag:$0x1] =	stream.indirect.gather [hbm4b:s4+s10], $0x1, s30, s10, $0xb8;
	[tilespmem:$0x2000] =	vst v63  }
0x35: {  	s0 =	simm.s32 $0xC00;
	s31 =	simm.s32 $0x1880  }
0x36: {  	[tilespmem:s31], [sflag:$0x1] =	stream.indirect.gather [hbm4b:s4+s10], $0x1, s0, s10, $0xb8;
	[tilespmem:$0x2000] =	vst v63  }
0x37: {  	s0 =	simm.s32 $0xE00;
	s31 =	simm.s32 $0x1900  }
0x38: {  	[tilespmem:s31], [sflag:$0x1] =	stream.indirect.gather [hbm4b:s4+s10], $0x1, s0, s10, $0xb8;
	[tilespmem:$0x2000] =	vst v63  }
0x39: {  	s0 =	simm.s32 $0x280;
	s31 =	simm.s32 $0x1200  }
0x3a: {  	[tilespmem:s31], [sflag:$0x1] =	stream.indirect.gather [hbm4b:s3+s10], $0x1, s0, s10, $0xb8;
	[tilespmem:$0x2000] =	vst v63  }
0x3b: {  	s0 =	simm.s32 $0x480;
	s31 =	simm.s32 $0x1280  }
0x3c: {  	[tilespmem:s31], [sflag:$0x1] =	stream.indirect.gather [hbm4b:s3+s10], $0x1, s0, s10, $0xb8;
	[tilespmem:$0x2000] =	vst v63  }
0x3d: {  	s0 =	simm.s32 $0x680;
	s31 =	simm.s32 $0x1300  }
0x3e: {  	[tilespmem:s31], [sflag:$0x1] =	stream.indirect.gather [hbm4b:s3+s10], $0x1, s0, s10, $0xb8;
	[tilespmem:$0x2000] =	vst v63  }
0x3f: {  	s0 =	simm.s32 $0x880;
	s31 =	simm.s32 $0x1380  }
0x40: {  	[tilespmem:s31], [sflag:$0x1] =	stream.indirect.gather [hbm4b:s3+s10], $0x1, s0, s10, $0xb8;
	[tilespmem:$0x2000] =	vst v63  }
0x41: {  	s0 =	simm.s32 $0xA80;
	s31 =	simm.s32 $0x1A00  }
0x42: {  	[tilespmem:s31], [sflag:$0x1] =	stream.indirect.gather [hbm4b:s4+s10], $0x1, s0, s10, $0xb8;
	[tilespmem:$0x2000] =	vst v63  }
0x43: {  	s0 =	simm.s32 $0xC80;
	s31 =	simm.s32 $0x1A80  }
0x44: {  	[tilespmem:s31], [sflag:$0x1] =	stream.indirect.gather [hbm4b:s4+s10], $0x1, s0, s10, $0xb8;
	[tilespmem:$0x2000] =	vst v63  }
0x45: {  	s0 =	simm.s32 $0xE80;
	s31 =	simm.s32 $0x1B00  }
0x46: {  	[tilespmem:s31], [sflag:$0x1] =	stream.indirect.gather [hbm4b:s4+s10], $0x1, s0, s10, $0xb8;
	[tilespmem:$0x2000] =	vst v63  }
0x47: {  	s0 =	simm.s32 $0x300;
	s31 =	simm.s32 $0x1400  }
0x48: {  	[tilespmem:s31], [sflag:$0x1] =	stream.indirect.gather [hbm4b:s3+s10], $0x1, s0, s10, $0xb8;
	[tilespmem:$0x2000] =	vst v63  }
0x49: {  	s0 =	simm.s32 $0x500;
	s31 =	simm.s32 $0x1480  }
0x4a: {  	[tilespmem:s31], [sflag:$0x1] =	stream.indirect.gather [hbm4b:s3+s10], $0x1, s0, s10, $0xb8;
	[tilespmem:$0x2000] =	vst v63  }
0x4b: {  	s0 =	simm.s32 $0x700;
	s31 =	simm.s32 $0x1500  }
0x4c: {  	[tilespmem:s31], [sflag:$0x1] =	stream.indirect.gather [hbm4b:s3+s10], $0x1, s0, s10, $0xb8;
	[tilespmem:$0x2000] =	vst v63  }
0x4d: {  	s0 =	simm.s32 $0x900;
	s31 =	simm.s32 $0x1580  }
0x4e: {  	[tilespmem:s31], [sflag:$0x1] =	stream.indirect.gather [hbm4b:s3+s10], $0x1, s0, s10, $0xb8;
	[tilespmem:$0x2000] =	vst v63  }
0x4f: {  	s0 =	simm.s32 $0xB00;
	s31 =	simm.s32 $0x1C00  }
0x50: {  	[tilespmem:s31], [sflag:$0x1] =	stream.indirect.gather [hbm4b:s4+s10], $0x1, s0, s10, $0xb8;
	[tilespmem:$0x2000] =	vst v63  }
0x51: {  	s0 =	simm.s32 $0xD00;
	s31 =	simm.s32 $0x1C80  }
0x52: {  	[tilespmem:s31], [sflag:$0x1] =	stream.indirect.gather [hbm4b:s4+s10], $0x1, s0, s10, $0xb8;
	[tilespmem:$0x2000] =	vst v63  }
0x53: {  	s31 =	simm.s32 $0xF00  }
0x54: {  	[tilespmem:s1], [sflag:$0x1] =	stream.indirect.gather [hbm4b:s4+s10], $0x1, s31, s10, $0xb8;
	[tilespmem:$0x2000] =	vst v63  }
0x55: {  	_ = 	snop  }
0x56: {  	[tilespmem:s13], [sflag:$0x1] =	stream.indirect.gather [hbm4b:s3+s10], $0x1, s11, s10, $0xb8;
	[tilespmem:$0x2000] =	vst v63  }
0x57: {  	_ = 	snop  }
0x58: {  	[tilespmem:s15], [sflag:$0x1] =	stream.indirect.gather [hbm4b:s3+s10], $0x1, s14, s10, $0xb8;
	[tilespmem:$0x2000] =	vst v63  }
0x59: {  	_ = 	snop  }
0x5a: {  	[tilespmem:s17], [sflag:$0x1] =	stream.indirect.gather [hbm4b:s3+s10], $0x1, s16, s10, $0xb8;
	[tilespmem:$0x2000] =	vst v63  }
0x5b: {  	_ = 	snop  }
0x5c: {  	[tilespmem:s19], [sflag:$0x1] =	stream.indirect.gather [hbm4b:s3+s10], $0x1, s18, s10, $0xb8;
	[tilespmem:$0x2000] =	vst v63  }
0x5d: {  	_ = 	snop  }
0x5e: {  	[tilespmem:s22], [sflag:$0x1] =	stream.indirect.gather [hbm4b:s4+s10], $0x1, s21, s10, $0xb8;
	[tilespmem:$0x2000] =	vst v63  }
0x5f: {  	_ = 	snop  }
0x60: {  	[tilespmem:s24], [sflag:$0x1] =	stream.indirect.gather [hbm4b:s4+s10], $0x1, s23, s10, $0xb8;
	[tilespmem:$0x2000] =	vst v63  }
0x61: {  	_ = 	snop  }
0x62: {  	[tilespmem:s26], [sflag:$0x1] =	stream.indirect.gather [hbm4b:s4+s10], $0x1, s25, s10, $0xb8;
	[tilespmem:$0x2000] =	vst v63  }
0x63: {  	_ =	swait.ge [sflag:s28], $0x80  }
0x64: {  	[sflag:s28] =	ssyncset.done $0x0  }
0x65: {  	[sflag:s28] =	ssyncadd.s32 $0xFFFFFF80  }
0x66: {  	_ =	swait.ge [sflag:s28], $0x80  }
0x67: {  	[sflag:s28] =	ssyncset.done $0x0  }
0x68: {  	[sflag:s28] =	ssyncadd.s32 $0xFFFFFF80  }
0x69: {  	_ =	swait.ge [sflag:s28], $0x80  }
0x6a: {  	[sflag:s28] =	ssyncset.done $0x0  }
0x6b: {  	[sflag:s28] =	ssyncadd.s32 $0xFFFFFF80  }
0x6c: {  	_ =	swait.ge [sflag:s28], $0x80  }
0x6d: {  	[sflag:s28] =	ssyncset.done $0x0  }
0x6e: {  	[sflag:s28] =	ssyncadd.s32 $0xFFFFFF80  }
0x6f: {  	_ =	swait.ge [sflag:s28], $0x80  }
0x70: {  	[sflag:s28] =	ssyncset.done $0x0  }
0x71: {  	[sflag:s28] =	ssyncadd.s32 $0xFFFFFF80  }
0x72: {  	_ =	swait.ge [sflag:s28], $0x80  }
0x73: {  	[sflag:s28] =	ssyncset.done $0x0  }
0x74: {  	[sflag:s28] =	ssyncadd.s32 $0xFFFFFF80  }
0x75: {  	_ =	swait.ge [sflag:s28], $0x80  }
0x76: {  	[sflag:s28] =	ssyncset.done $0x0  }
0x77: {  	[sflag:s28] =	ssyncadd.s32 $0xFFFFFF80  }
0x78: {  	_ =	swait.ge [sflag:s28], $0x80  }
0x79: {  	[sflag:s28] =	ssyncset.done $0x0  }
0x7a: {  	[sflag:s28] =	ssyncadd.s32 $0xFFFFFF80  }
0x7b: {  	_ =	swait.ge [sflag:s28], $0x80  }
0x7c: {  	[sflag:s28] =	ssyncset.done $0x0  }
0x7d: {  	[sflag:s28] =	ssyncadd.s32 $0xFFFFFF80  }
0x7e: {  	_ =	swait.ge [sflag:s28], $0x80  }
0x7f: {  	[sflag:s28] =	ssyncset.done $0x0  }
0x80: {  	[sflag:s28] =	ssyncadd.s32 $0xFFFFFF80  }
0x81: {  	_ =	swait.ge [sflag:s28], $0x80  }
0x82: {  	[sflag:s28] =	ssyncset.done $0x0  }
0x83: {  	[sflag:s28] =	ssyncadd.s32 $0xFFFFFF80  }
0x84: {  	_ =	swait.ge [sflag:s28], $0x80  }
0x85: {  	[sflag:s28] =	ssyncset.done $0x0  }
0x86: {  	[sflag:s28] =	ssyncadd.s32 $0xFFFFFF80  }
0x87: {  	_ =	swait.ge [sflag:s28], $0x80  }
0x88: {  	[sflag:s28] =	ssyncset.done $0x0  }
0x89: {  	[sflag:s28] =	ssyncadd.s32 $0xFFFFFF80  }
0x8a: {  	_ =	swait.ge [sflag:s28], $0x80  }
0x8b: {  	[sflag:s28] =	ssyncset.done $0x0  }
0x8c: {  	[sflag:s28] =	ssyncadd.s32 $0xFFFFFF80  }
0x8d: {  	_ =	swait.ge [sflag:s28], $0x80  }
0x8e: {  	[sflag:s28] =	ssyncset.done $0x0  }
0x8f: {  	[sflag:s28] =	ssyncadd.s32 $0xFFFFFF80  }
0x90: {  	_ =	swait.ge [sflag:s28], $0x80  }
0x91: {  	[sflag:s28] =	ssyncset.done $0x0  }
0x92: {  	[sflag:s28] =	ssyncadd.s32 $0xFFFFFF80  }
0x93: {  	_ =	swait.ge [sflag:s28], $0x80  }
0x94: {  	[sflag:s28] =	ssyncset.done $0x0  }
0x95: {  	[sflag:s28] =	ssyncadd.s32 $0xFFFFFF80  }
0x96: {  	_ =	swait.ge [sflag:s28], $0x80  }
0x97: {  	[sflag:s28] =	ssyncset.done $0x0  }
0x98: {  	[sflag:s28] =	ssyncadd.s32 $0xFFFFFF80  }
0x99: {  	_ =	swait.ge [sflag:s28], $0x80  }
0x9a: {  	[sflag:s28] =	ssyncset.done $0x0  }
0x9b: {  	[sflag:s28] =	ssyncadd.s32 $0xFFFFFF80  }
0x9c: {  	_ =	swait.ge [sflag:s28], $0x80  }
0x9d: {  	[sflag:s28] =	ssyncset.done $0x0  }
0x9e: {  	[sflag:s28] =	ssyncadd.s32 $0xFFFFFF80  }
0x9f: {  	_ =	swait.ge [sflag:s28], $0x80  }
0xa0: {  	[sflag:s28] =	ssyncset.done $0x0  }
0xa1: {  	[sflag:s28] =	ssyncadd.s32 $0xFFFFFF80  }
0xa2: {  	_ =	swait.ge [sflag:s28], $0x80  }
0xa3: {  	[sflag:s28] =	ssyncset.done $0x0  }
0xa4: {  	[sflag:s28] =	ssyncadd.s32 $0xFFFFFF80  }
0xa5: {  	_ =	swait.ge [sflag:s28], $0x80  }
0xa6: {  	[sflag:s28] =	ssyncset.done $0x0  }
0xa7: {  	[sflag:s28] =	ssyncadd.s32 $0xFFFFFF80  }
0xa8: {  	_ =	swait.ge [sflag:s28], $0x80  }
0xa9: {  	[sflag:s28] =	ssyncset.done $0x0  }
0xaa: {  	[sflag:s28] =	ssyncadd.s32 $0xFFFFFF80  }
0xab: {  	_ =	swait.ge [sflag:s28], $0x80  }
0xac: {  	[sflag:s28] =	ssyncset.done $0x0  }
0xad: {  	[sflag:s28] =	ssyncadd.s32 $0xFFFFFF80  }
0xae: {  	_ =	swait.ge [sflag:s28], $0x80  }
0xaf: {  	[sflag:s28] =	ssyncset.done $0x0  }
0xb0: {  	[sflag:s28] =	ssyncadd.s32 $0xFFFFFF80  }
0xb1: {  	_ =	swait.ge [sflag:s28], $0x80  }
0xb2: {  	[sflag:s28] =	ssyncset.done $0x0  }
0xb3: {  	[sflag:s28] =	ssyncadd.s32 $0xFFFFFF80  }
0xb4: {  	_ =	swait.ge [sflag:s28], $0x80  }
0xb5: {  	[sflag:s28] =	ssyncset.done $0x0  }
0xb6: {  	[sflag:s28] =	ssyncadd.s32 $0xFFFFFF80  }
0xb7: {  	[hbm4b:s6+s2] =	stream.linear.scatter [tilespmem:s12], [sflag:$0x2], $0x800, $0x38;
	[tilespmem:$0x2000] =	vst v63  }
0xb8: {  	s29 =	sadd.s32 $0x1, s29;
	_ =	swait.ge [sflag:s9], $0x800  }
0xb9: {  	p0 =	sne.s32 s29, s8;
	[sflag:s9] =	ssyncset.done $0x0  }
.Ltmp1:
0xba: {  	[sflag:s9] =	ssyncadd.s32 $0xFFFFF800;
	(pc) =	sbr.rel @p0 .LBB2_1-.Ltmp1, $4  }
0xbb: {  	[hbm4b:s7+s2] =	stream.linear.scatter [tilespmem:s20], [sflag:$0x2], $0x800, $0x38;
	[tilespmem:$0x2000] =	vst v63  }
0xbc: {  	_ =	swait.ge [sflag:s9], $0x800  }
0xbd: {  	[sflag:s9] =	ssyncset.done $0x0  }
0xbe: {  	[sflag:s9] =	ssyncadd.s32 $0xFFFFF800  }
0xbf: {  	_ =	sfence.sel $0x180000  }
0xc0: {  	[bflag:$0x0] =	sbarrier.arrive $0xFFFF  }
0xc1: {  	_ =	strace $0x90000047  }
0xc2: {  	s0 =	stileid.u32;
	[bflag:$0x2] =	sbarrier.arrive $0xFFFF  }
0xc3: {  	p0 =	sne.s32 s0, $0x0;
	s0 =	rddreg [dreg:$0x4]  }
0xc4: {  	s0 =	sadd.s32 @!p0 $0x100000, s0  }
0xc5: {  	[sflag:s0] =	ssyncadd.tile.s32 @!p0 $0x1;
	_ =	shalt  }
.Lfunc_end2:
_tile_overlayer_lowered:
.L_overlay_start_2:
0xc6: {  	(tag) =	ssettag $0x2  }
0xc7: {  	s0 =	rddreg [dreg:$0x0];
	s2 =	stileid.u32  }
0xc8: {  	s1 =	rddreg [dreg:$0x1];
	p0 =	sne.s32 s2, $0x0  }
0xc9: {  	s3 =	rddreg [dreg:$0x2];
	[bflag:$0x3] =	sbarrier.arrive $0xFFFF;
	s2 =	simm.s32 @!p0 $0x1C02  }
0xca: {  	[timem:s3], [sflag:s2] =	dma.local @!p0 [hbm:s0], s1  }
0xcb: {  	s0 =	simm.s32 @!p0 $0x2  }
0xcc: {  	_ =	swait.ge @!p0 [sflag:s0], s1  }
0xcd: {  	s1 =	ssub.s32 @!p0 $0x0, s1;
	[sflag:s0] =	ssyncset.done @!p0 $0x0  }
0xce: {  	[sflag:s0] =	ssyncadd.s32 @!p0 s1  }
0xcf: {  	[bflag:$0x3] =	sbarrier.arrive $0xFFFF  }
0xd0: {  	_ =	shalt  }

</sc_bundles>
